<compile_context>
chip_gen: v7x
topology: tpu7x:2x2x1
jax: 0.10.2.dev20260603
libtpu: 0.0.44.dev20260713+nightly
codegen_flags: <defaults>
</compile_context>

<pallas_src>
import functools

import jax
import jax.numpy as jnp
from jax import lax
from jax.experimental import pallas as pl
from jax.experimental.pallas import tpu as pltpu
from jax.experimental.pallas import tpu_sc as plsc

N = 256
D_IN = 2048
D_OUT = 1024
K = 256

NC, NS, L = 2, 16, 16
NW = NC * NS
R = D_OUT // NW

_mesh = plsc.VectorSubcoreMesh(core_axis_name="c", subcore_axis_name="s")


@functools.partial(
    pl.kernel,
    out_type=jax.ShapeDtypeStruct((D_OUT * D_IN,), jnp.float32),
    mesh=_mesh,
    scratch_types=[
        pltpu.VMEM((R, K), jnp.int32),
        pltpu.VMEM((R, K), jnp.float32),
        pltpu.VMEM((R * D_IN,), jnp.float32),
        pltpu.SemaphoreType.DMA,
        pltpu.SemaphoreType.DMA,
    ],
    compiler_params=pltpu.CompilerParams(needs_layout_passes=False),
)
def _densify(mask_hbm, w_hbm, wt_hbm, mask_v, w_v, rows_v, sem_in, sem_out):
    wid = lax.axis_index("s") * NC + lax.axis_index("c")
    base = wid * R
    cp_m = pltpu.async_copy(mask_hbm.at[pl.ds(base, R)], mask_v, sem_in)
    cp_w = pltpu.async_copy(w_hbm.at[pl.ds(base, R)], w_v, sem_in)

    zeros = jnp.zeros((L,), jnp.float32)

    @pl.loop(0, R * D_IN // L, unroll=32)
    def _zero(i):
        rows_v[pl.ds(i * L, L)] = zeros

    cp_m.wait()
    cp_w.wait()

    CH = 2
    RC = R // CH
    cps = []
    for c in range(CH):
        @plsc.parallel_loop(c * RC, (c + 1) * RC)
        def _scatter(r):
            off = (r * D_IN).astype(jnp.int32)
            idx = mask_v[r, pl.ds(0, L)]
            val = w_v[r, pl.ds(0, L)]
            for j in range(K // L):
                nidx = nval = None
                if j + 1 < K // L:
                    nidx = mask_v[r, pl.ds((j + 1) * L, L)]
                    nval = w_v[r, pl.ds((j + 1) * L, L)]
                plsc.addupdate_scatter(rows_v, [idx + off], val)
                if nidx is not None:
                    idx, val = nidx, nval

        cps.append(pltpu.async_copy(
            rows_v.at[pl.ds(c * RC * D_IN, RC * D_IN)],
            wt_hbm.at[pl.ds((base + c * RC) * D_IN, RC * D_IN)],
            sem_out,
        ))
    for cp in cps:
        cp.wait()


BO = 512


def _mm_body(x_ref, wt_ref, b_ref, o_ref):
    wtb = wt_ref[...].reshape(BO, D_IN)
    o_ref[...] = (
        lax.dot_general(
            x_ref[...],
            wtb,
            dimension_numbers=(((1,), (1,)), ((), ())),
            preferred_element_type=jnp.float32,
            precision=lax.Precision.DEFAULT,
        )
        + b_ref[...]
    )


def _matmul(x, wt_flat, bias2d):
    return pl.pallas_call(
        _mm_body,
        grid=(D_OUT // BO,),
        in_specs=[
            pl.BlockSpec((N, D_IN), lambda i: (0, 0)),
            pl.BlockSpec((BO * D_IN,), lambda i: (i,)),
            pl.BlockSpec((1, BO), lambda i: (0, i)),
        ],
        out_specs=pl.BlockSpec((N, BO), lambda i: (0, i)),
        out_shape=jax.ShapeDtypeStruct((N, D_OUT), jnp.float32),
    )(x, wt_flat, bias2d)


def kernel(input, input_mask, condensed_weight, bias):
    wt = _densify(input_mask, condensed_weight)
    return _matmul(input, wt, bias.reshape(1, D_OUT))

# --- scband reference (transcript-rebuilt; emitter-appended) ---
"""Pipeline reference for scband-condensed-linear-fine-grained-13597866459291 (READ-ONLY COPY).

The authoritative reference and input builder live on the scoring server;
editing this copy changes nothing except your own understanding.
"""

import jax, jax.numpy as jnp
import numpy as np

N = 256       # tokens
D_IN = 2048   # in_features of wrapped nn.Linear
D_OUT = 1024  # out_features (all neurons active)
K = 256       # nonzeros per output row (12.5% fine-grained density)


def setup_inputs(seed: int = 0) -> dict:
    key = jax.random.key(seed)
    k1, k2, k3, k4 = jax.random.split(key, 4)
    inp = {}
    # forward arg
    inp["input"] = jax.random.normal(k1, (N, D_IN), dtype=jnp.float32)
    # module state materialized from the pruned nn.Linear:
    # input_mask[o, j] = column index of j-th nonzero in row o of the weight
    inp["input_mask"] = jax.random.randint(k2, (D_OUT, K), 0, D_IN, dtype=jnp.int32)
    inp["condensed_weight"] = jax.random.normal(k3, (D_OUT, K), dtype=jnp.float32) * 0.02
    inp["bias"] = jax.random.normal(k4, (D_OUT,), dtype=jnp.float32) * 0.02
    return inp


def reference(input, input_mask, condensed_weight, bias):
    # torch: torch.sum(condensed_weight * input[..., input_mask], dim=input.dim()) + bias
    gathered = input[..., input_mask]                      # [N, D_OUT, K] gather
    out = jnp.sum(condensed_weight * gathered, axis=input.ndim) + bias  # reduce over K
    return out                                             # [N, D_OUT]

if __name__ == "__main__":
    import jax
    _d = setup_inputs()
    print(jax.jit(kernel)(*tuple(_d.values())))

</pallas_src>

<mosaic_0001>
#map = affine_map<(d0, d1) -> (0, 0)>
#map1 = affine_map<(d0, d1) -> (0)>
module attributes {stable_mosaic.version = 14 : i64} {
  func.func @_densify(%arg0: i32, %arg1: i32, %arg2: memref<1024x256xi32, #tpu.memory_space<hbm>>, %arg3: memref<1024x256xf32, #tpu.memory_space<hbm>>, %arg4: memref<2097152xf32, #tpu.memory_space<hbm>>, %arg5: memref<32x256xi32, #tpu.memory_space<vmem>>, %arg6: memref<32x256xf32, #tpu.memory_space<vmem>>, %arg7: memref<65536xf32, #tpu.memory_space<vmem>>, %arg8: memref<!tpu.dma_semaphore, #tpu.memory_space<semaphore_mem>>, %arg9: memref<!tpu.dma_semaphore, #tpu.memory_space<semaphore_mem>>) attributes {dimension_semantics = [#tpu.dimension_semantics<core_parallel>, #tpu.dimension_semantics<subcore_parallel>], iteration_bounds = array<i64: 2, 16>, scalar_prefetch = 0 : i64, scratch_operands = 5 : i64, tpu.core_type = #tpu.core_type<sc_vector_subcore>, window_params = [{transform_indices = #map}, {transform_indices = #map}, {transform_indices = #map1}]} {
    %mul3A = arith.constant 2 : i32
    %mul3A_0 = arith.muli %arg1, %mul3A : i32
    %add3A = arith.addi %mul3A_0, %arg0 : i32
    %mul3A_1 = arith.constant 32 : i32
    %mul3A_2 = arith.muli %add3A, %mul3A_1 : i32
    %dma_start3A = arith.constant 0 : i32
    %dma_start3A_3 = tpu.memref_slice %arg2[%mul3A_2, %dma_start3A] : memref<1024x256xi32, #tpu.memory_space<hbm>> -> memref<32x256xi32, #tpu.memory_space<hbm>>
    %dma_start3A_4 = arith.constant 0 : i32
    %dma_start3A_5 = tpu.memref_slice %arg2[%mul3A_2, %dma_start3A_4] : memref<1024x256xi32, #tpu.memory_space<hbm>> -> memref<32x256xi32, #tpu.memory_space<hbm>>
    tpu.enqueue_dma source(%dma_start3A_5 : memref<32x256xi32, #tpu.memory_space<hbm>>) target(%arg5 : memref<32x256xi32, #tpu.memory_space<vmem>>) target_semaphore(%arg8 : memref<!tpu.dma_semaphore, #tpu.memory_space<semaphore_mem>>)
    %dma_start3A_6 = arith.constant 0 : i32
    %dma_start3A_7 = tpu.memref_slice %arg3[%mul3A_2, %dma_start3A_6] : memref<1024x256xf32, #tpu.memory_space<hbm>> -> memref<32x256xf32, #tpu.memory_space<hbm>>
    %dma_start3A_8 = arith.constant 0 : i32
    %dma_start3A_9 = tpu.memref_slice %arg3[%mul3A_2, %dma_start3A_8] : memref<1024x256xf32, #tpu.memory_space<hbm>> -> memref<32x256xf32, #tpu.memory_space<hbm>>
    tpu.enqueue_dma source(%dma_start3A_9 : memref<32x256xf32, #tpu.memory_space<hbm>>) target(%arg6 : memref<32x256xf32, #tpu.memory_space<vmem>>) target_semaphore(%arg8 : memref<!tpu.dma_semaphore, #tpu.memory_space<semaphore_mem>>)
    %broadcast_in_dim3A = arith.constant 0.000000e+00 : f32
    %broadcast_in_dim3A_10 = vector.broadcast %broadcast_in_dim3A : f32 to vector<16xf32>
    %scan3A = arith.constant 0 : i32
    %scan3A_11 = arith.constant 4096 : i32
    %scan3A_12 = arith.addi %scan3A, %scan3A_11 : i32
    %scan3A_13 = arith.constant 32 : i32
    scf.for %scan3A_59 = %scan3A to %scan3A_12 step %scan3A_13  : i32 {
      %mul3A_60 = arith.constant 1 : i32
      %mul3A_61 = arith.muli %scan3A_59, %mul3A_60 : i32
      %add3A_62 = arith.constant 0 : i32
      %add3A_63 = arith.addi %add3A_62, %mul3A_61 : i32
      %mul3A_64 = arith.constant 16 : i32
      %mul3A_65 = arith.muli %add3A_63, %mul3A_64 : i32
      %swap3A = arith.index_cast %mul3A_65 : i32 to index
      %swap3A_66 = tpu.vector_load %arg7[%swap3A] {strides = array<i32>} : memref<65536xf32, #tpu.memory_space<vmem>>, vector<16xf32>,
      tpu.vector_store %arg7[%swap3A], %broadcast_in_dim3A_10 {strides = array<i32>} : memref<65536xf32, #tpu.memory_space<vmem>>, vector<16xf32>,
      %scan3A_67 = arith.constant 1 : i32
      %scan3A_68 = arith.addi %scan3A_59, %scan3A_67 : i32
      %mul3A_69 = arith.constant 1 : i32
      %mul3A_70 = arith.muli %scan3A_68, %mul3A_69 : i32
      %add3A_71 = arith.constant 0 : i32
      %add3A_72 = arith.addi %add3A_71, %mul3A_70 : i32
      %mul3A_73 = arith.constant 16 : i32
      %mul3A_74 = arith.muli %add3A_72, %mul3A_73 : i32
      %swap3A_75 = arith.index_cast %mul3A_74 : i32 to index
      %swap3A_76 = tpu.vector_load %arg7[%swap3A_75] {strides = array<i32>} : memref<65536xf32, #tpu.memory_space<vmem>>, vector<16xf32>,
      tpu.vector_store %arg7[%swap3A_75], %broadcast_in_dim3A_10 {strides = array<i32>} : memref<65536xf32, #tpu.memory_space<vmem>>, vector<16xf32>,
      %scan3A_77 = arith.constant 2 : i32
      %scan3A_78 = arith.addi %scan3A_59, %scan3A_77 : i32
      %mul3A_79 = arith.constant 1 : i32
      %mul3A_80 = arith.muli %scan3A_78, %mul3A_79 : i32
      %add3A_81 = arith.constant 0 : i32
      %add3A_82 = arith.addi %add3A_81, %mul3A_80 : i32
      %mul3A_83 = arith.constant 16 : i32
      %mul3A_84 = arith.muli %add3A_82, %mul3A_83 : i32
      %swap3A_85 = arith.index_cast %mul3A_84 : i32 to index
      %swap3A_86 = tpu.vector_load %arg7[%swap3A_85] {strides = array<i32>} : memref<65536xf32, #tpu.memory_space<vmem>>, vector<16xf32>,
      tpu.vector_store %arg7[%swap3A_85], %broadcast_in_dim3A_10 {strides = array<i32>} : memref<65536xf32, #tpu.memory_space<vmem>>, vector<16xf32>,
      %scan3A_87 = arith.constant 3 : i32
      %scan3A_88 = arith.addi %scan3A_59, %scan3A_87 : i32
      %mul3A_89 = arith.constant 1 : i32
      %mul3A_90 = arith.muli %scan3A_88, %mul3A_89 : i32
      %add3A_91 = arith.constant 0 : i32
      %add3A_92 = arith.addi %add3A_91, %mul3A_90 : i32
      %mul3A_93 = arith.constant 16 : i32
      %mul3A_94 = arith.muli %add3A_92, %mul3A_93 : i32
      %swap3A_95 = arith.index_cast %mul3A_94 : i32 to index
      %swap3A_96 = tpu.vector_load %arg7[%swap3A_95] {strides = array<i32>} : memref<65536xf32, #tpu.memory_space<vmem>>, vector<16xf32>,
      tpu.vector_store %arg7[%swap3A_95], %broadcast_in_dim3A_10 {strides = array<i32>} : memref<65536xf32, #tpu.memory_space<vmem>>, vector<16xf32>,
      %scan3A_97 = arith.constant 4 : i32
      %scan3A_98 = arith.addi %scan3A_59, %scan3A_97 : i32
      %mul3A_99 = arith.constant 1 : i32
      %mul3A_100 = arith.muli %scan3A_98, %mul3A_99 : i32
      %add3A_101 = arith.constant 0 : i32
      %add3A_102 = arith.addi %add3A_101, %mul3A_100 : i32
      %mul3A_103 = arith.constant 16 : i32
      %mul3A_104 = arith.muli %add3A_102, %mul3A_103 : i32
      %swap3A_105 = arith.index_cast %mul3A_104 : i32 to index
      %swap3A_106 = tpu.vector_load %arg7[%swap3A_105] {strides = array<i32>} : memref<65536xf32, #tpu.memory_space<vmem>>, vector<16xf32>,
      tpu.vector_store %arg7[%swap3A_105], %broadcast_in_dim3A_10 {strides = array<i32>} : memref<65536xf32, #tpu.memory_space<vmem>>, vector<16xf32>,
      %scan3A_107 = arith.constant 5 : i32
      %scan3A_108 = arith.addi %scan3A_59, %scan3A_107 : i32
      %mul3A_109 = arith.constant 1 : i32
      %mul3A_110 = arith.muli %scan3A_108, %mul3A_109 : i32
      %add3A_111 = arith.constant 0 : i32
      %add3A_112 = arith.addi %add3A_111, %mul3A_110 : i32
      %mul3A_113 = arith.constant 16 : i32
      %mul3A_114 = arith.muli %add3A_112, %mul3A_113 : i32
      %swap3A_115 = arith.index_cast %mul3A_114 : i32 to index
      %swap3A_116 = tpu.vector_load %arg7[%swap3A_115] {strides = array<i32>} : memref<65536xf32, #tpu.memory_space<vmem>>, vector<16xf32>,
      tpu.vector_store %arg7[%swap3A_115], %broadcast_in_dim3A_10 {strides = array<i32>} : memref<65536xf32, #tpu.memory_space<vmem>>, vector<16xf32>,
      %scan3A_117 = arith.constant 6 : i32
      %scan3A_118 = arith.addi %scan3A_59, %scan3A_117 : i32
      %mul3A_119 = arith.constant 1 : i32
      %mul3A_120 = arith.muli %scan3A_118, %mul3A_119 : i32
      %add3A_121 = arith.constant 0 : i32
      %add3A_122 = arith.addi %add3A_121, %mul3A_120 : i32
      %mul3A_123 = arith.constant 16 : i32
      %mul3A_124 = arith.muli %add3A_122, %mul3A_123 : i32
      %swap3A_125 = arith.index_cast %mul3A_124 : i32 to index
      %swap3A_126 = tpu.vector_load %arg7[%swap3A_125] {strides = array<i32>} : memref<65536xf32, #tpu.memory_space<vmem>>, vector<16xf32>,
      tpu.vector_store %arg7[%swap3A_125], %broadcast_in_dim3A_10 {strides = array<i32>} : memref<65536xf32, #tpu.memory_space<vmem>>, vector<16xf32>,
      %scan3A_127 = arith.constant 7 : i32
      %scan3A_128 = arith.addi %scan3A_59, %scan3A_127 : i32
      %mul3A_129 = arith.constant 1 : i32
      %mul3A_130 = arith.muli %scan3A_128, %mul3A_129 : i32
      %add3A_131 = arith.constant 0 : i32
      %add3A_132 = arith.addi %add3A_131, %mul3A_130 : i32
      %mul3A_133 = arith.constant 16 : i32
      %mul3A_134 = arith.muli %add3A_132, %mul3A_133 : i32
      %swap3A_135 = arith.index_cast %mul3A_134 : i32 to index
      %swap3A_136 = tpu.vector_load %arg7[%swap3A_135] {strides = array<i32>} : memref<65536xf32, #tpu.memory_space<vmem>>, vector<16xf32>,
      tpu.vector_store %arg7[%swap3A_135], %broadcast_in_dim3A_10 {strides = array<i32>} : memref<65536xf32, #tpu.memory_space<vmem>>, vector<16xf32>,
      %scan3A_137 = arith.constant 8 : i32
      %scan3A_138 = arith.addi %scan3A_59, %scan3A_137 : i32
      %mul3A_139 = arith.constant 1 : i32
      %mul3A_140 = arith.muli %scan3A_138, %mul3A_139 : i32
      %add3A_141 = arith.constant 0 : i32
      %add3A_142 = arith.addi %add3A_141, %mul3A_140 : i32
      %mul3A_143 = arith.constant 16 : i32
      %mul3A_144 = arith.muli %add3A_142, %mul3A_143 : i32
      %swap3A_145 = arith.index_cast %mul3A_144 : i32 to index
      %swap3A_146 = tpu.vector_load %arg7[%swap3A_145] {strides = array<i32>} : memref<65536xf32, #tpu.memory_space<vmem>>, vector<16xf32>,
      tpu.vector_store %arg7[%swap3A_145], %broadcast_in_dim3A_10 {strides = array<i32>} : memref<65536xf32, #tpu.memory_space<vmem>>, vector<16xf32>,
      %scan3A_147 = arith.constant 9 : i32
      %scan3A_148 = arith.addi %scan3A_59, %scan3A_147 : i32
      %mul3A_149 = arith.constant 1 : i32
      %mul3A_150 = arith.muli %scan3A_148, %mul3A_149 : i32
      %add3A_151 = arith.constant 0 : i32
      %add3A_152 = arith.addi %add3A_151, %mul3A_150 : i32
      %mul3A_153 = arith.constant 16 : i32
      %mul3A_154 = arith.muli %add3A_152, %mul3A_153 : i32
      %swap3A_155 = arith.index_cast %mul3A_154 : i32 to index
      %swap3A_156 = tpu.vector_load %arg7[%swap3A_155] {strides = array<i32>} : memref<65536xf32, #tpu.memory_space<vmem>>, vector<16xf32>,
      tpu.vector_store %arg7[%swap3A_155], %broadcast_in_dim3A_10 {strides = array<i32>} : memref<65536xf32, #tpu.memory_space<vmem>>, vector<16xf32>,
      %scan3A_157 = arith.constant 10 : i32
      %scan3A_158 = arith.addi %scan3A_59, %scan3A_157 : i32
      %mul3A_159 = arith.constant 1 : i32
      %mul3A_160 = arith.muli %scan3A_158, %mul3A_159 : i32
      %add3A_161 = arith.constant 0 : i32
      %add3A_162 = arith.addi %add3A_161, %mul3A_160 : i32
      %mul3A_163 = arith.constant 16 : i32
      %mul3A_164 = arith.muli %add3A_162, %mul3A_163 : i32
      %swap3A_165 = arith.index_cast %mul3A_164 : i32 to index
      %swap3A_166 = tpu.vector_load %arg7[%swap3A_165] {strides = array<i32>} : memref<65536xf32, #tpu.memory_space<vmem>>, vector<16xf32>,
      tpu.vector_store %arg7[%swap3A_165], %broadcast_in_dim3A_10 {strides = array<i32>} : memref<65536xf32, #tpu.memory_space<vmem>>, vector<16xf32>,
      %scan3A_167 = arith.constant 11 : i32
      %scan3A_168 = arith.addi %scan3A_59, %scan3A_167 : i32
      %mul3A_169 = arith.constant 1 : i32
      %mul3A_170 = arith.muli %scan3A_168, %mul3A_169 : i32
      %add3A_171 = arith.constant 0 : i32
      %add3A_172 = arith.addi %add3A_171, %mul3A_170 : i32
      %mul3A_173 = arith.constant 16 : i32
      %mul3A_174 = arith.muli %add3A_172, %mul3A_173 : i32
      %swap3A_175 = arith.index_cast %mul3A_174 : i32 to index
      %swap3A_176 = tpu.vector_load %arg7[%swap3A_175] {strides = array<i32>} : memref<65536xf32, #tpu.memory_space<vmem>>, vector<16xf32>,
      tpu.vector_store %arg7[%swap3A_175], %broadcast_in_dim3A_10 {strides = array<i32>} : memref<65536xf32, #tpu.memory_space<vmem>>, vector<16xf32>,
      %scan3A_177 = arith.constant 12 : i32
      %scan3A_178 = arith.addi %scan3A_59, %scan3A_177 : i32
      %mul3A_179 = arith.constant 1 : i32
      %mul3A_180 = arith.muli %scan3A_178, %mul3A_179 : i32
      %add3A_181 = arith.constant 0 : i32
      %add3A_182 = arith.addi %add3A_181, %mul3A_180 : i32
      %mul3A_183 = arith.constant 16 : i32
      %mul3A_184 = arith.muli %add3A_182, %mul3A_183 : i32
      %swap3A_185 = arith.index_cast %mul3A_184 : i32 to index
      %swap3A_186 = tpu.vector_load %arg7[%swap3A_185] {strides = array<i32>} : memref<65536xf32, #tpu.memory_space<vmem>>, vector<16xf32>,
      tpu.vector_store %arg7[%swap3A_185], %broadcast_in_dim3A_10 {strides = array<i32>} : memref<65536xf32, #tpu.memory_space<vmem>>, vector<16xf32>,
      %scan3A_187 = arith.constant 13 : i32
      %scan3A_188 = arith.addi %scan3A_59, %scan3A_187 : i32
      %mul3A_189 = arith.constant 1 : i32
      %mul3A_190 = arith.muli %scan3A_188, %mul3A_189 : i32
      %add3A_191 = arith.constant 0 : i32
      %add3A_192 = arith.addi %add3A_191, %mul3A_190 : i32
      %mul3A_193 = arith.constant 16 : i32
      %mul3A_194 = arith.muli %add3A_192, %mul3A_193 : i32
      %swap3A_195 = arith.index_cast %mul3A_194 : i32 to index
      %swap3A_196 = tpu.vector_load %arg7[%swap3A_195] {strides = array<i32>} : memref<65536xf32, #tpu.memory_space<vmem>>, vector<16xf32>,
      tpu.vector_store %arg7[%swap3A_195], %broadcast_in_dim3A_10 {strides = array<i32>} : memref<65536xf32, #tpu.memory_space<vmem>>, vector<16xf32>,
      %scan3A_197 = arith.constant 14 : i32
      %scan3A_198 = arith.addi %scan3A_59, %scan3A_197 : i32
      %mul3A_199 = arith.constant 1 : i32
      %mul3A_200 = arith.muli %scan3A_198, %mul3A_199 : i32
      %add3A_201 = arith.constant 0 : i32
      %add3A_202 = arith.addi %add3A_201, %mul3A_200 : i32
      %mul3A_203 = arith.constant 16 : i32
      %mul3A_204 = arith.muli %add3A_202, %mul3A_203 : i32
      %swap3A_205 = arith.index_cast %mul3A_204 : i32 to index
      %swap3A_206 = tpu.vector_load %arg7[%swap3A_205] {strides = array<i32>} : memref<65536xf32, #tpu.memory_space<vmem>>, vector<16xf32>,
      tpu.vector_store %arg7[%swap3A_205], %broadcast_in_dim3A_10 {strides = array<i32>} : memref<65536xf32, #tpu.memory_space<vmem>>, vector<16xf32>,
      %scan3A_207 = arith.constant 15 : i32
      %scan3A_208 = arith.addi %scan3A_59, %scan3A_207 : i32
      %mul3A_209 = arith.constant 1 : i32
      %mul3A_210 = arith.muli %scan3A_208, %mul3A_209 : i32
      %add3A_211 = arith.constant 0 : i32
      %add3A_212 = arith.addi %add3A_211, %mul3A_210 : i32
      %mul3A_213 = arith.constant 16 : i32
      %mul3A_214 = arith.muli %add3A_212, %mul3A_213 : i32
      %swap3A_215 = arith.index_cast %mul3A_214 : i32 to index
      %swap3A_216 = tpu.vector_load %arg7[%swap3A_215] {strides = array<i32>} : memref<65536xf32, #tpu.memory_space<vmem>>, vector<16xf32>,
      tpu.vector_store %arg7[%swap3A_215], %broadcast_in_dim3A_10 {strides = array<i32>} : memref<65536xf32, #tpu.memory_space<vmem>>, vector<16xf32>,
      %scan3A_217 = arith.constant 16 : i32
      %scan3A_218 = arith.addi %scan3A_59, %scan3A_217 : i32
      %mul3A_219 = arith.constant 1 : i32
      %mul3A_220 = arith.muli %scan3A_218, %mul3A_219 : i32
      %add3A_221 = arith.constant 0 : i32
      %add3A_222 = arith.addi %add3A_221, %mul3A_220 : i32
      %mul3A_223 = arith.constant 16 : i32
      %mul3A_224 = arith.muli %add3A_222, %mul3A_223 : i32
      %swap3A_225 = arith.index_cast %mul3A_224 : i32 to index
      %swap3A_226 = tpu.vector_load %arg7[%swap3A_225] {strides = array<i32>} : memref<65536xf32, #tpu.memory_space<vmem>>, vector<16xf32>,
      tpu.vector_store %arg7[%swap3A_225], %broadcast_in_dim3A_10 {strides = array<i32>} : memref<65536xf32, #tpu.memory_space<vmem>>, vector<16xf32>,
      %scan3A_227 = arith.constant 17 : i32
      %scan3A_228 = arith.addi %scan3A_59, %scan3A_227 : i32
      %mul3A_229 = arith.constant 1 : i32
      %mul3A_230 = arith.muli %scan3A_228, %mul3A_229 : i32
      %add3A_231 = arith.constant 0 : i32
      %add3A_232 = arith.addi %add3A_231, %mul3A_230 : i32
      %mul3A_233 = arith.constant 16 : i32
      %mul3A_234 = arith.muli %add3A_232, %mul3A_233 : i32
      %swap3A_235 = arith.index_cast %mul3A_234 : i32 to index
      %swap3A_236 = tpu.vector_load %arg7[%swap3A_235] {strides = array<i32>} : memref<65536xf32, #tpu.memory_space<vmem>>, vector<16xf32>,
      tpu.vector_store %arg7[%swap3A_235], %broadcast_in_dim3A_10 {strides = array<i32>} : memref<65536xf32, #tpu.memory_space<vmem>>, vector<16xf32>,
      %scan3A_237 = arith.constant 18 : i32
      %scan3A_238 = arith.addi %scan3A_59, %scan3A_237 : i32
      %mul3A_239 = arith.constant 1 : i32
      %mul3A_240 = arith.muli %scan3A_238, %mul3A_239 : i32
      %add3A_241 = arith.constant 0 : i32
      %add3A_242 = arith.addi %add3A_241, %mul3A_240 : i32
      %mul3A_243 = arith.constant 16 : i32
      %mul3A_244 = arith.muli %add3A_242, %mul3A_243 : i32
      %swap3A_245 = arith.index_cast %mul3A_244 : i32 to index
      %swap3A_246 = tpu.vector_load %arg7[%swap3A_245] {strides = array<i32>} : memref<65536xf32, #tpu.memory_space<vmem>>, vector<16xf32>,
      tpu.vector_store %arg7[%swap3A_245], %broadcast_in_dim3A_10 {strides = array<i32>} : memref<65536xf32, #tpu.memory_space<vmem>>, vector<16xf32>,
      %scan3A_247 = arith.constant 19 : i32
      %scan3A_248 = arith.addi %scan3A_59, %scan3A_247 : i32
      %mul3A_249 = arith.constant 1 : i32
      %mul3A_250 = arith.muli %scan3A_248, %mul3A_249 : i32
      %add3A_251 = arith.constant 0 : i32
      %add3A_252 = arith.addi %add3A_251, %mul3A_250 : i32
      %mul3A_253 = arith.constant 16 : i32
      %mul3A_254 = arith.muli %add3A_252, %mul3A_253 : i32
      %swap3A_255 = arith.index_cast %mul3A_254 : i32 to index
      %swap3A_256 = tpu.vector_load %arg7[%swap3A_255] {strides = array<i32>} : memref<65536xf32, #tpu.memory_space<vmem>>, vector<16xf32>,
      tpu.vector_store %arg7[%swap3A_255], %broadcast_in_dim3A_10 {strides = array<i32>} : memref<65536xf32, #tpu.memory_space<vmem>>, vector<16xf32>,
      %scan3A_257 = arith.constant 20 : i32
      %scan3A_258 = arith.addi %scan3A_59, %scan3A_257 : i32
      %mul3A_259 = arith.constant 1 : i32
      %mul3A_260 = arith.muli %scan3A_258, %mul3A_259 : i32
      %add3A_261 = arith.constant 0 : i32
      %add3A_262 = arith.addi %add3A_261, %mul3A_260 : i32
      %mul3A_263 = arith.constant 16 : i32
      %mul3A_264 = arith.muli %add3A_262, %mul3A_263 : i32
      %swap3A_265 = arith.index_cast %mul3A_264 : i32 to index
      %swap3A_266 = tpu.vector_load %arg7[%swap3A_265] {strides = array<i32>} : memref<65536xf32, #tpu.memory_space<vmem>>, vector<16xf32>,
      tpu.vector_store %arg7[%swap3A_265], %broadcast_in_dim3A_10 {strides = array<i32>} : memref<65536xf32, #tpu.memory_space<vmem>>, vector<16xf32>,
      %scan3A_267 = arith.constant 21 : i32
      %scan3A_268 = arith.addi %scan3A_59, %scan3A_267 : i32
      %mul3A_269 = arith.constant 1 : i32
      %mul3A_270 = arith.muli %scan3A_268, %mul3A_269 : i32
      %add3A_271 = arith.constant 0 : i32
      %add3A_272 = arith.addi %add3A_271, %mul3A_270 : i32
      %mul3A_273 = arith.constant 16 : i32
      %mul3A_274 = arith.muli %add3A_272, %mul3A_273 : i32
      %swap3A_275 = arith.index_cast %mul3A_274 : i32 to index
      %swap3A_276 = tpu.vector_load %arg7[%swap3A_275] {strides = array<i32>} : memref<65536xf32, #tpu.memory_space<vmem>>, vector<16xf32>,
      tpu.vector_store %arg7[%swap3A_275], %broadcast_in_dim3A_10 {strides = array<i32>} : memref<65536xf32, #tpu.memory_space<vmem>>, vector<16xf32>,
      %scan3A_277 = arith.constant 22 : i32
      %scan3A_278 = arith.addi %scan3A_59, %scan3A_277 : i32
      %mul3A_279 = arith.constant 1 : i32
      %mul3A_280 = arith.muli %scan3A_278, %mul3A_279 : i32
      %add3A_281 = arith.constant 0 : i32
      %add3A_282 = arith.addi %add3A_281, %mul3A_280 : i32
      %mul3A_283 = arith.constant 16 : i32
      %mul3A_284 = arith.muli %add3A_282, %mul3A_283 : i32
      %swap3A_285 = arith.index_cast %mul3A_284 : i32 to index
      %swap3A_286 = tpu.vector_load %arg7[%swap3A_285] {strides = array<i32>} : memref<65536xf32, #tpu.memory_space<vmem>>, vector<16xf32>,
      tpu.vector_store %arg7[%swap3A_285], %broadcast_in_dim3A_10 {strides = array<i32>} : memref<65536xf32, #tpu.memory_space<vmem>>, vector<16xf32>,
      %scan3A_287 = arith.constant 23 : i32
      %scan3A_288 = arith.addi %scan3A_59, %scan3A_287 : i32
      %mul3A_289 = arith.constant 1 : i32
      %mul3A_290 = arith.muli %scan3A_288, %mul3A_289 : i32
      %add3A_291 = arith.constant 0 : i32
      %add3A_292 = arith.addi %add3A_291, %mul3A_290 : i32
      %mul3A_293 = arith.constant 16 : i32
      %mul3A_294 = arith.muli %add3A_292, %mul3A_293 : i32
      %swap3A_295 = arith.index_cast %mul3A_294 : i32 to index
      %swap3A_296 = tpu.vector_load %arg7[%swap3A_295] {strides = array<i32>} : memref<65536xf32, #tpu.memory_space<vmem>>, vector<16xf32>,
      tpu.vector_store %arg7[%swap3A_295], %broadcast_in_dim3A_10 {strides = array<i32>} : memref<65536xf32, #tpu.memory_space<vmem>>, vector<16xf32>,
      %scan3A_297 = arith.constant 24 : i32
      %scan3A_298 = arith.addi %scan3A_59, %scan3A_297 : i32
      %mul3A_299 = arith.constant 1 : i32
      %mul3A_300 = arith.muli %scan3A_298, %mul3A_299 : i32
      %add3A_301 = arith.constant 0 : i32
      %add3A_302 = arith.addi %add3A_301, %mul3A_300 : i32
      %mul3A_303 = arith.constant 16 : i32
      %mul3A_304 = arith.muli %add3A_302, %mul3A_303 : i32
      %swap3A_305 = arith.index_cast %mul3A_304 : i32 to index
      %swap3A_306 = tpu.vector_load %arg7[%swap3A_305] {strides = array<i32>} : memref<65536xf32, #tpu.memory_space<vmem>>, vector<16xf32>,
      tpu.vector_store %arg7[%swap3A_305], %broadcast_in_dim3A_10 {strides = array<i32>} : memref<65536xf32, #tpu.memory_space<vmem>>, vector<16xf32>,
      %scan3A_307 = arith.constant 25 : i32
      %scan3A_308 = arith.addi %scan3A_59, %scan3A_307 : i32
      %mul3A_309 = arith.constant 1 : i32
      %mul3A_310 = arith.muli %scan3A_308, %mul3A_309 : i32
      %add3A_311 = arith.constant 0 : i32
      %add3A_312 = arith.addi %add3A_311, %mul3A_310 : i32
      %mul3A_313 = arith.constant 16 : i32
      %mul3A_314 = arith.muli %add3A_312, %mul3A_313 : i32
      %swap3A_315 = arith.index_cast %mul3A_314 : i32 to index
      %swap3A_316 = tpu.vector_load %arg7[%swap3A_315] {strides = array<i32>} : memref<65536xf32, #tpu.memory_space<vmem>>, vector<16xf32>,
      tpu.vector_store %arg7[%swap3A_315], %broadcast_in_dim3A_10 {strides = array<i32>} : memref<65536xf32, #tpu.memory_space<vmem>>, vector<16xf32>,
      %scan3A_317 = arith.constant 26 : i32
      %scan3A_318 = arith.addi %scan3A_59, %scan3A_317 : i32
      %mul3A_319 = arith.constant 1 : i32
      %mul3A_320 = arith.muli %scan3A_318, %mul3A_319 : i32
      %add3A_321 = arith.constant 0 : i32
      %add3A_322 = arith.addi %add3A_321, %mul3A_320 : i32
      %mul3A_323 = arith.constant 16 : i32
      %mul3A_324 = arith.muli %add3A_322, %mul3A_323 : i32
      %swap3A_325 = arith.index_cast %mul3A_324 : i32 to index
      %swap3A_326 = tpu.vector_load %arg7[%swap3A_325] {strides = array<i32>} : memref<65536xf32, #tpu.memory_space<vmem>>, vector<16xf32>,
      tpu.vector_store %arg7[%swap3A_325], %broadcast_in_dim3A_10 {strides = array<i32>} : memref<65536xf32, #tpu.memory_space<vmem>>, vector<16xf32>,
      %scan3A_327 = arith.constant 27 : i32
      %scan3A_328 = arith.addi %scan3A_59, %scan3A_327 : i32
      %mul3A_329 = arith.constant 1 : i32
      %mul3A_330 = arith.muli %scan3A_328, %mul3A_329 : i32
      %add3A_331 = arith.constant 0 : i32
      %add3A_332 = arith.addi %add3A_331, %mul3A_330 : i32
      %mul3A_333 = arith.constant 16 : i32
      %mul3A_334 = arith.muli %add3A_332, %mul3A_333 : i32
      %swap3A_335 = arith.index_cast %mul3A_334 : i32 to index
      %swap3A_336 = tpu.vector_load %arg7[%swap3A_335] {strides = array<i32>} : memref<65536xf32, #tpu.memory_space<vmem>>, vector<16xf32>,
      tpu.vector_store %arg7[%swap3A_335], %broadcast_in_dim3A_10 {strides = array<i32>} : memref<65536xf32, #tpu.memory_space<vmem>>, vector<16xf32>,
      %scan3A_337 = arith.constant 28 : i32
      %scan3A_338 = arith.addi %scan3A_59, %scan3A_337 : i32
      %mul3A_339 = arith.constant 1 : i32
      %mul3A_340 = arith.muli %scan3A_338, %mul3A_339 : i32
      %add3A_341 = arith.constant 0 : i32
      %add3A_342 = arith.addi %add3A_341, %mul3A_340 : i32
      %mul3A_343 = arith.constant 16 : i32
      %mul3A_344 = arith.muli %add3A_342, %mul3A_343 : i32
      %swap3A_345 = arith.index_cast %mul3A_344 : i32 to index
      %swap3A_346 = tpu.vector_load %arg7[%swap3A_345] {strides = array<i32>} : memref<65536xf32, #tpu.memory_space<vmem>>, vector<16xf32>,
      tpu.vector_store %arg7[%swap3A_345], %broadcast_in_dim3A_10 {strides = array<i32>} : memref<65536xf32, #tpu.memory_space<vmem>>, vector<16xf32>,
      %scan3A_347 = arith.constant 29 : i32
      %scan3A_348 = arith.addi %scan3A_59, %scan3A_347 : i32
      %mul3A_349 = arith.constant 1 : i32
      %mul3A_350 = arith.muli %scan3A_348, %mul3A_349 : i32
      %add3A_351 = arith.constant 0 : i32
      %add3A_352 = arith.addi %add3A_351, %mul3A_350 : i32
      %mul3A_353 = arith.constant 16 : i32
      %mul3A_354 = arith.muli %add3A_352, %mul3A_353 : i32
      %swap3A_355 = arith.index_cast %mul3A_354 : i32 to index
      %swap3A_356 = tpu.vector_load %arg7[%swap3A_355] {strides = array<i32>} : memref<65536xf32, #tpu.memory_space<vmem>>, vector<16xf32>,
      tpu.vector_store %arg7[%swap3A_355], %broadcast_in_dim3A_10 {strides = array<i32>} : memref<65536xf32, #tpu.memory_space<vmem>>, vector<16xf32>,
      %scan3A_357 = arith.constant 30 : i32
      %scan3A_358 = arith.addi %scan3A_59, %scan3A_357 : i32
      %mul3A_359 = arith.constant 1 : i32
      %mul3A_360 = arith.muli %scan3A_358, %mul3A_359 : i32
      %add3A_361 = arith.constant 0 : i32
      %add3A_362 = arith.addi %add3A_361, %mul3A_360 : i32
      %mul3A_363 = arith.constant 16 : i32
      %mul3A_364 = arith.muli %add3A_362, %mul3A_363 : i32
      %swap3A_365 = arith.index_cast %mul3A_364 : i32 to index
      %swap3A_366 = tpu.vector_load %arg7[%swap3A_365] {strides = array<i32>} : memref<65536xf32, #tpu.memory_space<vmem>>, vector<16xf32>,
      tpu.vector_store %arg7[%swap3A_365], %broadcast_in_dim3A_10 {strides = array<i32>} : memref<65536xf32, #tpu.memory_space<vmem>>, vector<16xf32>,
      %scan3A_367 = arith.constant 31 : i32
      %scan3A_368 = arith.addi %scan3A_59, %scan3A_367 : i32
      %mul3A_369 = arith.constant 1 : i32
      %mul3A_370 = arith.muli %scan3A_368, %mul3A_369 : i32
      %add3A_371 = arith.constant 0 : i32
      %add3A_372 = arith.addi %add3A_371, %mul3A_370 : i32
      %mul3A_373 = arith.constant 16 : i32
      %mul3A_374 = arith.muli %add3A_372, %mul3A_373 : i32
      %swap3A_375 = arith.index_cast %mul3A_374 : i32 to index
      %swap3A_376 = tpu.vector_load %arg7[%swap3A_375] {strides = array<i32>} : memref<65536xf32, #tpu.memory_space<vmem>>, vector<16xf32>,
      tpu.vector_store %arg7[%swap3A_375], %broadcast_in_dim3A_10 {strides = array<i32>} : memref<65536xf32, #tpu.memory_space<vmem>>, vector<16xf32>,
    }
    %scan3A_14 = arith.constant 4096 : i32
    %dma_wait3A = arith.constant 0 : i32
    %dma_wait3A_15 = tpu.memref_slice %arg2[%mul3A_2, %dma_wait3A] : memref<1024x256xi32, #tpu.memory_space<hbm>> -> memref<32x256xi32, #tpu.memory_space<hbm>>
    %dma_wait3A_16 = arith.constant 0 : i32
    %dma_wait3A_17 = tpu.memref_slice %arg2[%mul3A_2, %dma_wait3A_16] : memref<1024x256xi32, #tpu.memory_space<hbm>> -> memref<32x256xi32, #tpu.memory_space<hbm>>
    tpu.wait_dma2 semaphore(%arg8 : memref<!tpu.dma_semaphore, #tpu.memory_space<semaphore_mem>>) src(%dma_wait3A_17 : memref<32x256xi32, #tpu.memory_space<hbm>>) dst(%arg5 : memref<32x256xi32, #tpu.memory_space<vmem>>)
    %dma_wait3A_18 = arith.constant 0 : i32
    %dma_wait3A_19 = tpu.memref_slice %arg3[%mul3A_2, %dma_wait3A_18] : memref<1024x256xf32, #tpu.memory_space<hbm>> -> memref<32x256xf32, #tpu.memory_space<hbm>>
    %dma_wait3A_20 = arith.constant 0 : i32
    %dma_wait3A_21 = tpu.memref_slice %arg3[%mul3A_2, %dma_wait3A_20] : memref<1024x256xf32, #tpu.memory_space<hbm>> -> memref<32x256xf32, #tpu.memory_space<hbm>>
    tpu.wait_dma2 semaphore(%arg8 : memref<!tpu.dma_semaphore, #tpu.memory_space<semaphore_mem>>) src(%dma_wait3A_21 : memref<32x256xf32, #tpu.memory_space<hbm>>) dst(%arg6 : memref<32x256xf32, #tpu.memory_space<vmem>>)
    %parallel_loop3A = arith.constant 0 : i32
    %parallel_loop3A_22 = arith.constant 16 : i32
    %parallel_loop3A_23 = arith.constant 1 : i32
    scf.for %parallel_loop3A_59 = %parallel_loop3A to %parallel_loop3A_22 step %parallel_loop3A_23  : i32 {
      %parallel_loop3A_60 = arith.constant 2048 : i32
      %parallel_loop3A_61 = arith.muli %parallel_loop3A_59, %parallel_loop3A_60 : i32
      %parallel_loop3A_62 = arith.index_cast %parallel_loop3A_59 : i32 to index
      %parallel_loop3A_63 = arith.constant 0 : index
      %parallel_loop3A_64 = tpu.vector_load %arg5[%parallel_loop3A_62, %parallel_loop3A_63] {strides = array<i32>} : memref<32x256xi32, #tpu.memory_space<vmem>>, vector<16xi32>,
      %parallel_loop3A_65 = arith.index_cast %parallel_loop3A_59 : i32 to index
      %parallel_loop3A_66 = arith.constant 0 : index
      %parallel_loop3A_67 = tpu.vector_load %arg6[%parallel_loop3A_65, %parallel_loop3A_66] {strides = array<i32>} : memref<32x256xf32, #tpu.memory_space<vmem>>, vector<16xf32>,
      %parallel_loop3A_68 = arith.index_cast %parallel_loop3A_59 : i32 to index
      %parallel_loop3A_69 = arith.constant 16 : index
      %parallel_loop3A_70 = tpu.vector_load %arg5[%parallel_loop3A_68, %parallel_loop3A_69] {strides = array<i32>} : memref<32x256xi32, #tpu.memory_space<vmem>>, vector<16xi32>,
      %parallel_loop3A_71 = arith.index_cast %parallel_loop3A_59 : i32 to index
      %parallel_loop3A_72 = arith.constant 16 : index
      %parallel_loop3A_73 = tpu.vector_load %arg6[%parallel_loop3A_71, %parallel_loop3A_72] {strides = array<i32>} : memref<32x256xf32, #tpu.memory_space<vmem>>, vector<16xf32>,
      %parallel_loop3A_74 = vector.broadcast %parallel_loop3A_61 : i32 to vector<16xi32>
      %parallel_loop3A_75 = arith.addi %parallel_loop3A_64, %parallel_loop3A_74 : vector<16xi32>
      tpu.vector_store_idx %arg7[%parallel_loop3A_75], %parallel_loop3A_67 {add = true} : memref<65536xf32, #tpu.memory_space<vmem>>[vector<16xi32>], vector<16xf32>,
      %parallel_loop3A_76 = arith.index_cast %parallel_loop3A_59 : i32 to index
      %parallel_loop3A_77 = arith.constant 32 : index
      %parallel_loop3A_78 = tpu.vector_load %arg5[%parallel_loop3A_76, %parallel_loop3A_77] {strides = array<i32>} : memref<32x256xi32, #tpu.memory_space<vmem>>, vector<16xi32>,
      %parallel_loop3A_79 = arith.index_cast %parallel_loop3A_59 : i32 to index
      %parallel_loop3A_80 = arith.constant 32 : index
      %parallel_loop3A_81 = tpu.vector_load %arg6[%parallel_loop3A_79, %parallel_loop3A_80] {strides = array<i32>} : memref<32x256xf32, #tpu.memory_space<vmem>>, vector<16xf32>,
      %parallel_loop3A_82 = vector.broadcast %parallel_loop3A_61 : i32 to vector<16xi32>
      %parallel_loop3A_83 = arith.addi %parallel_loop3A_70, %parallel_loop3A_82 : vector<16xi32>
      tpu.vector_store_idx %arg7[%parallel_loop3A_83], %parallel_loop3A_73 {add = true} : memref<65536xf32, #tpu.memory_space<vmem>>[vector<16xi32>], vector<16xf32>,
      %parallel_loop3A_84 = arith.index_cast %parallel_loop3A_59 : i32 to index
      %parallel_loop3A_85 = arith.constant 48 : index
      %parallel_loop3A_86 = tpu.vector_load %arg5[%parallel_loop3A_84, %parallel_loop3A_85] {strides = array<i32>} : memref<32x256xi32, #tpu.memory_space<vmem>>, vector<16xi32>,
      %parallel_loop3A_87 = arith.index_cast %parallel_loop3A_59 : i32 to index
      %parallel_loop3A_88 = arith.constant 48 : index
      %parallel_loop3A_89 = tpu.vector_load %arg6[%parallel_loop3A_87, %parallel_loop3A_88] {strides = array<i32>} : memref<32x256xf32, #tpu.memory_space<vmem>>, vector<16xf32>,
      %parallel_loop3A_90 = vector.broadcast %parallel_loop3A_61 : i32 to vector<16xi32>
      %parallel_loop3A_91 = arith.addi %parallel_loop3A_78, %parallel_loop3A_90 : vector<16xi32>
      tpu.vector_store_idx %arg7[%parallel_loop3A_91], %parallel_loop3A_81 {add = true} : memref<65536xf32, #tpu.memory_space<vmem>>[vector<16xi32>], vector<16xf32>,
      %parallel_loop3A_92 = arith.index_cast %parallel_loop3A_59 : i32 to index
      %parallel_loop3A_93 = arith.constant 64 : index
      %parallel_loop3A_94 = tpu.vector_load %arg5[%parallel_loop3A_92, %parallel_loop3A_93] {strides = array<i32>} : memref<32x256xi32, #tpu.memory_space<vmem>>, vector<16xi32>,
      %parallel_loop3A_95 = arith.index_cast %parallel_loop3A_59 : i32 to index
      %parallel_loop3A_96 = arith.constant 64 : index
      %parallel_loop3A_97 = tpu.vector_load %arg6[%parallel_loop3A_95, %parallel_loop3A_96] {strides = array<i32>} : memref<32x256xf32, #tpu.memory_space<vmem>>, vector<16xf32>,
      %parallel_loop3A_98 = vector.broadcast %parallel_loop3A_61 : i32 to vector<16xi32>
      %parallel_loop3A_99 = arith.addi %parallel_loop3A_86, %parallel_loop3A_98 : vector<16xi32>
      tpu.vector_store_idx %arg7[%parallel_loop3A_99], %parallel_loop3A_89 {add = true} : memref<65536xf32, #tpu.memory_space<vmem>>[vector<16xi32>], vector<16xf32>,
      %parallel_loop3A_100 = arith.index_cast %parallel_loop3A_59 : i32 to index
      %parallel_loop3A_101 = arith.constant 80 : index
      %parallel_loop3A_102 = tpu.vector_load %arg5[%parallel_loop3A_100, %parallel_loop3A_101] {strides = array<i32>} : memref<32x256xi32, #tpu.memory_space<vmem>>, vector<16xi32>,
      %parallel_loop3A_103 = arith.index_cast %parallel_loop3A_59 : i32 to index
      %parallel_loop3A_104 = arith.constant 80 : index
      %parallel_loop3A_105 = tpu.vector_load %arg6[%parallel_loop3A_103, %parallel_loop3A_104] {strides = array<i32>} : memref<32x256xf32, #tpu.memory_space<vmem>>, vector<16xf32>,
      %parallel_loop3A_106 = vector.broadcast %parallel_loop3A_61 : i32 to vector<16xi32>
      %parallel_loop3A_107 = arith.addi %parallel_loop3A_94, %parallel_loop3A_106 : vector<16xi32>
      tpu.vector_store_idx %arg7[%parallel_loop3A_107], %parallel_loop3A_97 {add = true} : memref<65536xf32, #tpu.memory_space<vmem>>[vector<16xi32>], vector<16xf32>,
      %parallel_loop3A_108 = arith.index_cast %parallel_loop3A_59 : i32 to index
      %parallel_loop3A_109 = arith.constant 96 : index
      %parallel_loop3A_110 = tpu.vector_load %arg5[%parallel_loop3A_108, %parallel_loop3A_109] {strides = array<i32>} : memref<32x256xi32, #tpu.memory_space<vmem>>, vector<16xi32>,
      %parallel_loop3A_111 = arith.index_cast %parallel_loop3A_59 : i32 to index
      %parallel_loop3A_112 = arith.constant 96 : index
      %parallel_loop3A_113 = tpu.vector_load %arg6[%parallel_loop3A_111, %parallel_loop3A_112] {strides = array<i32>} : memref<32x256xf32, #tpu.memory_space<vmem>>, vector<16xf32>,
      %parallel_loop3A_114 = vector.broadcast %parallel_loop3A_61 : i32 to vector<16xi32>
      %parallel_loop3A_115 = arith.addi %parallel_loop3A_102, %parallel_loop3A_114 : vector<16xi32>
      tpu.vector_store_idx %arg7[%parallel_loop3A_115], %parallel_loop3A_105 {add = true} : memref<65536xf32, #tpu.memory_space<vmem>>[vector<16xi32>], vector<16xf32>,
      %parallel_loop3A_116 = arith.index_cast %parallel_loop3A_59 : i32 to index
      %parallel_loop3A_117 = arith.constant 112 : index
      %parallel_loop3A_118 = tpu.vector_load %arg5[%parallel_loop3A_116, %parallel_loop3A_117] {strides = array<i32>} : memref<32x256xi32, #tpu.memory_space<vmem>>, vector<16xi32>,
      %parallel_loop3A_119 = arith.index_cast %parallel_loop3A_59 : i32 to index
      %parallel_loop3A_120 = arith.constant 112 : index
      %parallel_loop3A_121 = tpu.vector_load %arg6[%parallel_loop3A_119, %parallel_loop3A_120] {strides = array<i32>} : memref<32x256xf32, #tpu.memory_space<vmem>>, vector<16xf32>,
      %parallel_loop3A_122 = vector.broadcast %parallel_loop3A_61 : i32 to vector<16xi32>
      %parallel_loop3A_123 = arith.addi %parallel_loop3A_110, %parallel_loop3A_122 : vector<16xi32>
      tpu.vector_store_idx %arg7[%parallel_loop3A_123], %parallel_loop3A_113 {add = true} : memref<65536xf32, #tpu.memory_space<vmem>>[vector<16xi32>], vector<16xf32>,
      %parallel_loop3A_124 = arith.index_cast %parallel_loop3A_59 : i32 to index
      %parallel_loop3A_125 = arith.constant 128 : index
      %parallel_loop3A_126 = tpu.vector_load %arg5[%parallel_loop3A_124, %parallel_loop3A_125] {strides = array<i32>} : memref<32x256xi32, #tpu.memory_space<vmem>>, vector<16xi32>,
      %parallel_loop3A_127 = arith.index_cast %parallel_loop3A_59 : i32 to index
      %parallel_loop3A_128 = arith.constant 128 : index
      %parallel_loop3A_129 = tpu.vector_load %arg6[%parallel_loop3A_127, %parallel_loop3A_128] {strides = array<i32>} : memref<32x256xf32, #tpu.memory_space<vmem>>, vector<16xf32>,
      %parallel_loop3A_130 = vector.broadcast %parallel_loop3A_61 : i32 to vector<16xi32>
      %parallel_loop3A_131 = arith.addi %parallel_loop3A_118, %parallel_loop3A_130 : vector<16xi32>
      tpu.vector_store_idx %arg7[%parallel_loop3A_131], %parallel_loop3A_121 {add = true} : memref<65536xf32, #tpu.memory_space<vmem>>[vector<16xi32>], vector<16xf32>,
      %parallel_loop3A_132 = arith.index_cast %parallel_loop3A_59 : i32 to index
      %parallel_loop3A_133 = arith.constant 144 : index
      %parallel_loop3A_134 = tpu.vector_load %arg5[%parallel_loop3A_132, %parallel_loop3A_133] {strides = array<i32>} : memref<32x256xi32, #tpu.memory_space<vmem>>, vector<16xi32>,
      %parallel_loop3A_135 = arith.index_cast %parallel_loop3A_59 : i32 to index
      %parallel_loop3A_136 = arith.constant 144 : index
      %parallel_loop3A_137 = tpu.vector_load %arg6[%parallel_loop3A_135, %parallel_loop3A_136] {strides = array<i32>} : memref<32x256xf32, #tpu.memory_space<vmem>>, vector<16xf32>,
      %parallel_loop3A_138 = vector.broadcast %parallel_loop3A_61 : i32 to vector<16xi32>
      %parallel_loop3A_139 = arith.addi %parallel_loop3A_126, %parallel_loop3A_138 : vector<16xi32>
      tpu.vector_store_idx %arg7[%parallel_loop3A_139], %parallel_loop3A_129 {add = true} : memref<65536xf32, #tpu.memory_space<vmem>>[vector<16xi32>], vector<16xf32>,
      %parallel_loop3A_140 = arith.index_cast %parallel_loop3A_59 : i32 to index
      %parallel_loop3A_141 = arith.constant 160 : index
      %parallel_loop3A_142 = tpu.vector_load %arg5[%parallel_loop3A_140, %parallel_loop3A_141] {strides = array<i32>} : memref<32x256xi32, #tpu.memory_space<vmem>>, vector<16xi32>,
      %parallel_loop3A_143 = arith.index_cast %parallel_loop3A_59 : i32 to index
      %parallel_loop3A_144 = arith.constant 160 : index
      %parallel_loop3A_145 = tpu.vector_load %arg6[%parallel_loop3A_143, %parallel_loop3A_144] {strides = array<i32>} : memref<32x256xf32, #tpu.memory_space<vmem>>, vector<16xf32>,
      %parallel_loop3A_146 = vector.broadcast %parallel_loop3A_61 : i32 to vector<16xi32>
      %parallel_loop3A_147 = arith.addi %parallel_loop3A_134, %parallel_loop3A_146 : vector<16xi32>
      tpu.vector_store_idx %arg7[%parallel_loop3A_147], %parallel_loop3A_137 {add = true} : memref<65536xf32, #tpu.memory_space<vmem>>[vector<16xi32>], vector<16xf32>,
      %parallel_loop3A_148 = arith.index_cast %parallel_loop3A_59 : i32 to index
      %parallel_loop3A_149 = arith.constant 176 : index
      %parallel_loop3A_150 = tpu.vector_load %arg5[%parallel_loop3A_148, %parallel_loop3A_149] {strides = array<i32>} : memref<32x256xi32, #tpu.memory_space<vmem>>, vector<16xi32>,
      %parallel_loop3A_151 = arith.index_cast %parallel_loop3A_59 : i32 to index
      %parallel_loop3A_152 = arith.constant 176 : index
      %parallel_loop3A_153 = tpu.vector_load %arg6[%parallel_loop3A_151, %parallel_loop3A_152] {strides = array<i32>} : memref<32x256xf32, #tpu.memory_space<vmem>>, vector<16xf32>,
      %parallel_loop3A_154 = vector.broadcast %parallel_loop3A_61 : i32 to vector<16xi32>
      %parallel_loop3A_155 = arith.addi %parallel_loop3A_142, %parallel_loop3A_154 : vector<16xi32>
      tpu.vector_store_idx %arg7[%parallel_loop3A_155], %parallel_loop3A_145 {add = true} : memref<65536xf32, #tpu.memory_space<vmem>>[vector<16xi32>], vector<16xf32>,
      %parallel_loop3A_156 = arith.index_cast %parallel_loop3A_59 : i32 to index
      %parallel_loop3A_157 = arith.constant 192 : index
      %parallel_loop3A_158 = tpu.vector_load %arg5[%parallel_loop3A_156, %parallel_loop3A_157] {strides = array<i32>} : memref<32x256xi32, #tpu.memory_space<vmem>>, vector<16xi32>,
      %parallel_loop3A_159 = arith.index_cast %parallel_loop3A_59 : i32 to index
      %parallel_loop3A_160 = arith.constant 192 : index
      %parallel_loop3A_161 = tpu.vector_load %arg6[%parallel_loop3A_159, %parallel_loop3A_160] {strides = array<i32>} : memref<32x256xf32, #tpu.memory_space<vmem>>, vector<16xf32>,
      %parallel_loop3A_162 = vector.broadcast %parallel_loop3A_61 : i32 to vector<16xi32>
      %parallel_loop3A_163 = arith.addi %parallel_loop3A_150, %parallel_loop3A_162 : vector<16xi32>
      tpu.vector_store_idx %arg7[%parallel_loop3A_163], %parallel_loop3A_153 {add = true} : memref<65536xf32, #tpu.memory_space<vmem>>[vector<16xi32>], vector<16xf32>,
      %parallel_loop3A_164 = arith.index_cast %parallel_loop3A_59 : i32 to index
      %parallel_loop3A_165 = arith.constant 208 : index
      %parallel_loop3A_166 = tpu.vector_load %arg5[%parallel_loop3A_164, %parallel_loop3A_165] {strides = array<i32>} : memref<32x256xi32, #tpu.memory_space<vmem>>, vector<16xi32>,
      %parallel_loop3A_167 = arith.index_cast %parallel_loop3A_59 : i32 to index
      %parallel_loop3A_168 = arith.constant 208 : index
      %parallel_loop3A_169 = tpu.vector_load %arg6[%parallel_loop3A_167, %parallel_loop3A_168] {strides = array<i32>} : memref<32x256xf32, #tpu.memory_space<vmem>>, vector<16xf32>,
      %parallel_loop3A_170 = vector.broadcast %parallel_loop3A_61 : i32 to vector<16xi32>
      %parallel_loop3A_171 = arith.addi %parallel_loop3A_158, %parallel_loop3A_170 : vector<16xi32>
      tpu.vector_store_idx %arg7[%parallel_loop3A_171], %parallel_loop3A_161 {add = true} : memref<65536xf32, #tpu.memory_space<vmem>>[vector<16xi32>], vector<16xf32>,
      %parallel_loop3A_172 = arith.index_cast %parallel_loop3A_59 : i32 to index
      %parallel_loop3A_173 = arith.constant 224 : index
      %parallel_loop3A_174 = tpu.vector_load %arg5[%parallel_loop3A_172, %parallel_loop3A_173] {strides = array<i32>} : memref<32x256xi32, #tpu.memory_space<vmem>>, vector<16xi32>,
      %parallel_loop3A_175 = arith.index_cast %parallel_loop3A_59 : i32 to index
      %parallel_loop3A_176 = arith.constant 224 : index
      %parallel_loop3A_177 = tpu.vector_load %arg6[%parallel_loop3A_175, %parallel_loop3A_176] {strides = array<i32>} : memref<32x256xf32, #tpu.memory_space<vmem>>, vector<16xf32>,
      %parallel_loop3A_178 = vector.broadcast %parallel_loop3A_61 : i32 to vector<16xi32>
      %parallel_loop3A_179 = arith.addi %parallel_loop3A_166, %parallel_loop3A_178 : vector<16xi32>
      tpu.vector_store_idx %arg7[%parallel_loop3A_179], %parallel_loop3A_169 {add = true} : memref<65536xf32, #tpu.memory_space<vmem>>[vector<16xi32>], vector<16xf32>,
      %parallel_loop3A_180 = arith.index_cast %parallel_loop3A_59 : i32 to index
      %parallel_loop3A_181 = arith.constant 240 : index
      %parallel_loop3A_182 = tpu.vector_load %arg5[%parallel_loop3A_180, %parallel_loop3A_181] {strides = array<i32>} : memref<32x256xi32, #tpu.memory_space<vmem>>, vector<16xi32>,
      %parallel_loop3A_183 = arith.index_cast %parallel_loop3A_59 : i32 to index
      %parallel_loop3A_184 = arith.constant 240 : index
      %parallel_loop3A_185 = tpu.vector_load %arg6[%parallel_loop3A_183, %parallel_loop3A_184] {strides = array<i32>} : memref<32x256xf32, #tpu.memory_space<vmem>>, vector<16xf32>,
      %parallel_loop3A_186 = vector.broadcast %parallel_loop3A_61 : i32 to vector<16xi32>
      %parallel_loop3A_187 = arith.addi %parallel_loop3A_174, %parallel_loop3A_186 : vector<16xi32>
      tpu.vector_store_idx %arg7[%parallel_loop3A_187], %parallel_loop3A_177 {add = true} : memref<65536xf32, #tpu.memory_space<vmem>>[vector<16xi32>], vector<16xf32>,
      %parallel_loop3A_188 = vector.broadcast %parallel_loop3A_61 : i32 to vector<16xi32>
      %parallel_loop3A_189 = arith.addi %parallel_loop3A_182, %parallel_loop3A_188 : vector<16xi32>
      tpu.vector_store_idx %arg7[%parallel_loop3A_189], %parallel_loop3A_185 {add = true} : memref<65536xf32, #tpu.memory_space<vmem>>[vector<16xi32>], vector<16xf32>,
    } {sc.loop_unroll_factor = 1 : i64, sc.parallel_access}
    %add3A_24 = arith.constant 0 : i32
    %add3A_25 = arith.addi %mul3A_2, %add3A_24 : i32
    %mul3A_26 = arith.constant 2048 : i32
    %mul3A_27 = arith.muli %add3A_25, %mul3A_26 : i32
    %dma_start3A_28 = arith.constant 0 : i32
    %dma_start3A_29 = tpu.memref_slice %arg7[%dma_start3A_28] : memref<65536xf32, #tpu.memory_space<vmem>> -> memref<32768xf32, #tpu.memory_space<vmem>>
    %dma_start3A_30 = tpu.memref_slice %arg4[%mul3A_27] : memref<2097152xf32, #tpu.memory_space<hbm>> -> memref<32768xf32, #tpu.memory_space<hbm>>
    %dma_start3A_31 = tpu.memref_slice %arg4[%mul3A_27] : memref<2097152xf32, #tpu.memory_space<hbm>> -> memref<32768xf32, #tpu.memory_space<hbm>>
    %dma_start3A_32 = arith.constant 0 : i32
    %dma_start3A_33 = tpu.memref_slice %arg7[%dma_start3A_32] : memref<65536xf32, #tpu.memory_space<vmem>> -> memref<32768xf32, #tpu.memory_space<vmem>>
    tpu.enqueue_dma source(%dma_start3A_33 : memref<32768xf32, #tpu.memory_space<vmem>>) target(%dma_start3A_31 : memref<32768xf32, #tpu.memory_space<hbm>>) target_semaphore(%arg9 : memref<!tpu.dma_semaphore, #tpu.memory_space<semaphore_mem>>)
    %parallel_loop3A_34 = arith.constant 16 : i32
    %parallel_loop3A_35 = arith.constant 32 : i32
    %parallel_loop3A_36 = arith.constant 1 : i32
    scf.for %parallel_loop3A_59 = %parallel_loop3A_34 to %parallel_loop3A_35 step %parallel_loop3A_36  : i32 {
      %parallel_loop3A_60 = arith.constant 2048 : i32
      %parallel_loop3A_61 = arith.muli %parallel_loop3A_59, %parallel_loop3A_60 : i32
      %parallel_loop3A_62 = arith.index_cast %parallel_loop3A_59 : i32 to index
      %parallel_loop3A_63 = arith.constant 0 : index
      %parallel_loop3A_64 = tpu.vector_load %arg5[%parallel_loop3A_62, %parallel_loop3A_63] {strides = array<i32>} : memref<32x256xi32, #tpu.memory_space<vmem>>, vector<16xi32>,
      %parallel_loop3A_65 = arith.index_cast %parallel_loop3A_59 : i32 to index
      %parallel_loop3A_66 = arith.constant 0 : index
      %parallel_loop3A_67 = tpu.vector_load %arg6[%parallel_loop3A_65, %parallel_loop3A_66] {strides = array<i32>} : memref<32x256xf32, #tpu.memory_space<vmem>>, vector<16xf32>,
      %parallel_loop3A_68 = arith.index_cast %parallel_loop3A_59 : i32 to index
      %parallel_loop3A_69 = arith.constant 16 : index
      %parallel_loop3A_70 = tpu.vector_load %arg5[%parallel_loop3A_68, %parallel_loop3A_69] {strides = array<i32>} : memref<32x256xi32, #tpu.memory_space<vmem>>, vector<16xi32>,
      %parallel_loop3A_71 = arith.index_cast %parallel_loop3A_59 : i32 to index
      %parallel_loop3A_72 = arith.constant 16 : index
      %parallel_loop3A_73 = tpu.vector_load %arg6[%parallel_loop3A_71, %parallel_loop3A_72] {strides = array<i32>} : memref<32x256xf32, #tpu.memory_space<vmem>>, vector<16xf32>,
      %parallel_loop3A_74 = vector.broadcast %parallel_loop3A_61 : i32 to vector<16xi32>
      %parallel_loop3A_75 = arith.addi %parallel_loop3A_64, %parallel_loop3A_74 : vector<16xi32>
      tpu.vector_store_idx %arg7[%parallel_loop3A_75], %parallel_loop3A_67 {add = true} : memref<65536xf32, #tpu.memory_space<vmem>>[vector<16xi32>], vector<16xf32>,
      %parallel_loop3A_76 = arith.index_cast %parallel_loop3A_59 : i32 to index
      %parallel_loop3A_77 = arith.constant 32 : index
      %parallel_loop3A_78 = tpu.vector_load %arg5[%parallel_loop3A_76, %parallel_loop3A_77] {strides = array<i32>} : memref<32x256xi32, #tpu.memory_space<vmem>>, vector<16xi32>,
      %parallel_loop3A_79 = arith.index_cast %parallel_loop3A_59 : i32 to index
      %parallel_loop3A_80 = arith.constant 32 : index
      %parallel_loop3A_81 = tpu.vector_load %arg6[%parallel_loop3A_79, %parallel_loop3A_80] {strides = array<i32>} : memref<32x256xf32, #tpu.memory_space<vmem>>, vector<16xf32>,
      %parallel_loop3A_82 = vector.broadcast %parallel_loop3A_61 : i32 to vector<16xi32>
      %parallel_loop3A_83 = arith.addi %parallel_loop3A_70, %parallel_loop3A_82 : vector<16xi32>
      tpu.vector_store_idx %arg7[%parallel_loop3A_83], %parallel_loop3A_73 {add = true} : memref<65536xf32, #tpu.memory_space<vmem>>[vector<16xi32>], vector<16xf32>,
      %parallel_loop3A_84 = arith.index_cast %parallel_loop3A_59 : i32 to index
      %parallel_loop3A_85 = arith.constant 48 : index
      %parallel_loop3A_86 = tpu.vector_load %arg5[%parallel_loop3A_84, %parallel_loop3A_85] {strides = array<i32>} : memref<32x256xi32, #tpu.memory_space<vmem>>, vector<16xi32>,
      %parallel_loop3A_87 = arith.index_cast %parallel_loop3A_59 : i32 to index
      %parallel_loop3A_88 = arith.constant 48 : index
      %parallel_loop3A_89 = tpu.vector_load %arg6[%parallel_loop3A_87, %parallel_loop3A_88] {strides = array<i32>} : memref<32x256xf32, #tpu.memory_space<vmem>>, vector<16xf32>,
      %parallel_loop3A_90 = vector.broadcast %parallel_loop3A_61 : i32 to vector<16xi32>
      %parallel_loop3A_91 = arith.addi %parallel_loop3A_78, %parallel_loop3A_90 : vector<16xi32>
      tpu.vector_store_idx %arg7[%parallel_loop3A_91], %parallel_loop3A_81 {add = true} : memref<65536xf32, #tpu.memory_space<vmem>>[vector<16xi32>], vector<16xf32>,
      %parallel_loop3A_92 = arith.index_cast %parallel_loop3A_59 : i32 to index
      %parallel_loop3A_93 = arith.constant 64 : index
      %parallel_loop3A_94 = tpu.vector_load %arg5[%parallel_loop3A_92, %parallel_loop3A_93] {strides = array<i32>} : memref<32x256xi32, #tpu.memory_space<vmem>>, vector<16xi32>,
      %parallel_loop3A_95 = arith.index_cast %parallel_loop3A_59 : i32 to index
      %parallel_loop3A_96 = arith.constant 64 : index
      %parallel_loop3A_97 = tpu.vector_load %arg6[%parallel_loop3A_95, %parallel_loop3A_96] {strides = array<i32>} : memref<32x256xf32, #tpu.memory_space<vmem>>, vector<16xf32>,
      %parallel_loop3A_98 = vector.broadcast %parallel_loop3A_61 : i32 to vector<16xi32>
      %parallel_loop3A_99 = arith.addi %parallel_loop3A_86, %parallel_loop3A_98 : vector<16xi32>
      tpu.vector_store_idx %arg7[%parallel_loop3A_99], %parallel_loop3A_89 {add = true} : memref<65536xf32, #tpu.memory_space<vmem>>[vector<16xi32>], vector<16xf32>,
      %parallel_loop3A_100 = arith.index_cast %parallel_loop3A_59 : i32 to index
      %parallel_loop3A_101 = arith.constant 80 : index
      %parallel_loop3A_102 = tpu.vector_load %arg5[%parallel_loop3A_100, %parallel_loop3A_101] {strides = array<i32>} : memref<32x256xi32, #tpu.memory_space<vmem>>, vector<16xi32>,
      %parallel_loop3A_103 = arith.index_cast %parallel_loop3A_59 : i32 to index
      %parallel_loop3A_104 = arith.constant 80 : index
      %parallel_loop3A_105 = tpu.vector_load %arg6[%parallel_loop3A_103, %parallel_loop3A_104] {strides = array<i32>} : memref<32x256xf32, #tpu.memory_space<vmem>>, vector<16xf32>,
      %parallel_loop3A_106 = vector.broadcast %parallel_loop3A_61 : i32 to vector<16xi32>
      %parallel_loop3A_107 = arith.addi %parallel_loop3A_94, %parallel_loop3A_106 : vector<16xi32>
      tpu.vector_store_idx %arg7[%parallel_loop3A_107], %parallel_loop3A_97 {add = true} : memref<65536xf32, #tpu.memory_space<vmem>>[vector<16xi32>], vector<16xf32>,
      %parallel_loop3A_108 = arith.index_cast %parallel_loop3A_59 : i32 to index
      %parallel_loop3A_109 = arith.constant 96 : index
      %parallel_loop3A_110 = tpu.vector_load %arg5[%parallel_loop3A_108, %parallel_loop3A_109] {strides = array<i32>} : memref<32x256xi32, #tpu.memory_space<vmem>>, vector<16xi32>,
      %parallel_loop3A_111 = arith.index_cast %parallel_loop3A_59 : i32 to index
      %parallel_loop3A_112 = arith.constant 96 : index
      %parallel_loop3A_113 = tpu.vector_load %arg6[%parallel_loop3A_111, %parallel_loop3A_112] {strides = array<i32>} : memref<32x256xf32, #tpu.memory_space<vmem>>, vector<16xf32>,
      %parallel_loop3A_114 = vector.broadcast %parallel_loop3A_61 : i32 to vector<16xi32>
      %parallel_loop3A_115 = arith.addi %parallel_loop3A_102, %parallel_loop3A_114 : vector<16xi32>
      tpu.vector_store_idx %arg7[%parallel_loop3A_115], %parallel_loop3A_105 {add = true} : memref<65536xf32, #tpu.memory_space<vmem>>[vector<16xi32>], vector<16xf32>,
      %parallel_loop3A_116 = arith.index_cast %parallel_loop3A_59 : i32 to index
      %parallel_loop3A_117 = arith.constant 112 : index
      %parallel_loop3A_118 = tpu.vector_load %arg5[%parallel_loop3A_116, %parallel_loop3A_117] {strides = array<i32>} : memref<32x256xi32, #tpu.memory_space<vmem>>, vector<16xi32>,
      %parallel_loop3A_119 = arith.index_cast %parallel_loop3A_59 : i32 to index
      %parallel_loop3A_120 = arith.constant 112 : index
      %parallel_loop3A_121 = tpu.vector_load %arg6[%parallel_loop3A_119, %parallel_loop3A_120] {strides = array<i32>} : memref<32x256xf32, #tpu.memory_space<vmem>>, vector<16xf32>,
      %parallel_loop3A_122 = vector.broadcast %parallel_loop3A_61 : i32 to vector<16xi32>
      %parallel_loop3A_123 = arith.addi %parallel_loop3A_110, %parallel_loop3A_122 : vector<16xi32>
      tpu.vector_store_idx %arg7[%parallel_loop3A_123], %parallel_loop3A_113 {add = true} : memref<65536xf32, #tpu.memory_space<vmem>>[vector<16xi32>], vector<16xf32>,
      %parallel_loop3A_124 = arith.index_cast %parallel_loop3A_59 : i32 to index
      %parallel_loop3A_125 = arith.constant 128 : index
      %parallel_loop3A_126 = tpu.vector_load %arg5[%parallel_loop3A_124, %parallel_loop3A_125] {strides = array<i32>} : memref<32x256xi32, #tpu.memory_space<vmem>>, vector<16xi32>,
      %parallel_loop3A_127 = arith.index_cast %parallel_loop3A_59 : i32 to index
      %parallel_loop3A_128 = arith.constant 128 : index
      %parallel_loop3A_129 = tpu.vector_load %arg6[%parallel_loop3A_127, %parallel_loop3A_128] {strides = array<i32>} : memref<32x256xf32, #tpu.memory_space<vmem>>, vector<16xf32>,
      %parallel_loop3A_130 = vector.broadcast %parallel_loop3A_61 : i32 to vector<16xi32>
      %parallel_loop3A_131 = arith.addi %parallel_loop3A_118, %parallel_loop3A_130 : vector<16xi32>
      tpu.vector_store_idx %arg7[%parallel_loop3A_131], %parallel_loop3A_121 {add = true} : memref<65536xf32, #tpu.memory_space<vmem>>[vector<16xi32>], vector<16xf32>,
      %parallel_loop3A_132 = arith.index_cast %parallel_loop3A_59 : i32 to index
      %parallel_loop3A_133 = arith.constant 144 : index
      %parallel_loop3A_134 = tpu.vector_load %arg5[%parallel_loop3A_132, %parallel_loop3A_133] {strides = array<i32>} : memref<32x256xi32, #tpu.memory_space<vmem>>, vector<16xi32>,
      %parallel_loop3A_135 = arith.index_cast %parallel_loop3A_59 : i32 to index
      %parallel_loop3A_136 = arith.constant 144 : index
      %parallel_loop3A_137 = tpu.vector_load %arg6[%parallel_loop3A_135, %parallel_loop3A_136] {strides = array<i32>} : memref<32x256xf32, #tpu.memory_space<vmem>>, vector<16xf32>,
      %parallel_loop3A_138 = vector.broadcast %parallel_loop3A_61 : i32 to vector<16xi32>
      %parallel_loop3A_139 = arith.addi %parallel_loop3A_126, %parallel_loop3A_138 : vector<16xi32>
      tpu.vector_store_idx %arg7[%parallel_loop3A_139], %parallel_loop3A_129 {add = true} : memref<65536xf32, #tpu.memory_space<vmem>>[vector<16xi32>], vector<16xf32>,
      %parallel_loop3A_140 = arith.index_cast %parallel_loop3A_59 : i32 to index
      %parallel_loop3A_141 = arith.constant 160 : index
      %parallel_loop3A_142 = tpu.vector_load %arg5[%parallel_loop3A_140, %parallel_loop3A_141] {strides = array<i32>} : memref<32x256xi32, #tpu.memory_space<vmem>>, vector<16xi32>,
      %parallel_loop3A_143 = arith.index_cast %parallel_loop3A_59 : i32 to index
      %parallel_loop3A_144 = arith.constant 160 : index
      %parallel_loop3A_145 = tpu.vector_load %arg6[%parallel_loop3A_143, %parallel_loop3A_144] {strides = array<i32>} : memref<32x256xf32, #tpu.memory_space<vmem>>, vector<16xf32>,
      %parallel_loop3A_146 = vector.broadcast %parallel_loop3A_61 : i32 to vector<16xi32>
      %parallel_loop3A_147 = arith.addi %parallel_loop3A_134, %parallel_loop3A_146 : vector<16xi32>
      tpu.vector_store_idx %arg7[%parallel_loop3A_147], %parallel_loop3A_137 {add = true} : memref<65536xf32, #tpu.memory_space<vmem>>[vector<16xi32>], vector<16xf32>,
      %parallel_loop3A_148 = arith.index_cast %parallel_loop3A_59 : i32 to index
      %parallel_loop3A_149 = arith.constant 176 : index
      %parallel_loop3A_150 = tpu.vector_load %arg5[%parallel_loop3A_148, %parallel_loop3A_149] {strides = array<i32>} : memref<32x256xi32, #tpu.memory_space<vmem>>, vector<16xi32>,
      %parallel_loop3A_151 = arith.index_cast %parallel_loop3A_59 : i32 to index
      %parallel_loop3A_152 = arith.constant 176 : index
      %parallel_loop3A_153 = tpu.vector_load %arg6[%parallel_loop3A_151, %parallel_loop3A_152] {strides = array<i32>} : memref<32x256xf32, #tpu.memory_space<vmem>>, vector<16xf32>,
      %parallel_loop3A_154 = vector.broadcast %parallel_loop3A_61 : i32 to vector<16xi32>
      %parallel_loop3A_155 = arith.addi %parallel_loop3A_142, %parallel_loop3A_154 : vector<16xi32>
      tpu.vector_store_idx %arg7[%parallel_loop3A_155], %parallel_loop3A_145 {add = true} : memref<65536xf32, #tpu.memory_space<vmem>>[vector<16xi32>], vector<16xf32>,
      %parallel_loop3A_156 = arith.index_cast %parallel_loop3A_59 : i32 to index
      %parallel_loop3A_157 = arith.constant 192 : index
      %parallel_loop3A_158 = tpu.vector_load %arg5[%parallel_loop3A_156, %parallel_loop3A_157] {strides = array<i32>} : memref<32x256xi32, #tpu.memory_space<vmem>>, vector<16xi32>,
      %parallel_loop3A_159 = arith.index_cast %parallel_loop3A_59 : i32 to index
      %parallel_loop3A_160 = arith.constant 192 : index
      %parallel_loop3A_161 = tpu.vector_load %arg6[%parallel_loop3A_159, %parallel_loop3A_160] {strides = array<i32>} : memref<32x256xf32, #tpu.memory_space<vmem>>, vector<16xf32>,
      %parallel_loop3A_162 = vector.broadcast %parallel_loop3A_61 : i32 to vector<16xi32>
      %parallel_loop3A_163 = arith.addi %parallel_loop3A_150, %parallel_loop3A_162 : vector<16xi32>
      tpu.vector_store_idx %arg7[%parallel_loop3A_163], %parallel_loop3A_153 {add = true} : memref<65536xf32, #tpu.memory_space<vmem>>[vector<16xi32>], vector<16xf32>,
      %parallel_loop3A_164 = arith.index_cast %parallel_loop3A_59 : i32 to index
      %parallel_loop3A_165 = arith.constant 208 : index
      %parallel_loop3A_166 = tpu.vector_load %arg5[%parallel_loop3A_164, %parallel_loop3A_165] {strides = array<i32>} : memref<32x256xi32, #tpu.memory_space<vmem>>, vector<16xi32>,
      %parallel_loop3A_167 = arith.index_cast %parallel_loop3A_59 : i32 to index
      %parallel_loop3A_168 = arith.constant 208 : index
      %parallel_loop3A_169 = tpu.vector_load %arg6[%parallel_loop3A_167, %parallel_loop3A_168] {strides = array<i32>} : memref<32x256xf32, #tpu.memory_space<vmem>>, vector<16xf32>,
      %parallel_loop3A_170 = vector.broadcast %parallel_loop3A_61 : i32 to vector<16xi32>
      %parallel_loop3A_171 = arith.addi %parallel_loop3A_158, %parallel_loop3A_170 : vector<16xi32>
      tpu.vector_store_idx %arg7[%parallel_loop3A_171], %parallel_loop3A_161 {add = true} : memref<65536xf32, #tpu.memory_space<vmem>>[vector<16xi32>], vector<16xf32>,
      %parallel_loop3A_172 = arith.index_cast %parallel_loop3A_59 : i32 to index
      %parallel_loop3A_173 = arith.constant 224 : index
      %parallel_loop3A_174 = tpu.vector_load %arg5[%parallel_loop3A_172, %parallel_loop3A_173] {strides = array<i32>} : memref<32x256xi32, #tpu.memory_space<vmem>>, vector<16xi32>,
      %parallel_loop3A_175 = arith.index_cast %parallel_loop3A_59 : i32 to index
      %parallel_loop3A_176 = arith.constant 224 : index
      %parallel_loop3A_177 = tpu.vector_load %arg6[%parallel_loop3A_175, %parallel_loop3A_176] {strides = array<i32>} : memref<32x256xf32, #tpu.memory_space<vmem>>, vector<16xf32>,
      %parallel_loop3A_178 = vector.broadcast %parallel_loop3A_61 : i32 to vector<16xi32>
      %parallel_loop3A_179 = arith.addi %parallel_loop3A_166, %parallel_loop3A_178 : vector<16xi32>
      tpu.vector_store_idx %arg7[%parallel_loop3A_179], %parallel_loop3A_169 {add = true} : memref<65536xf32, #tpu.memory_space<vmem>>[vector<16xi32>], vector<16xf32>,
      %parallel_loop3A_180 = arith.index_cast %parallel_loop3A_59 : i32 to index
      %parallel_loop3A_181 = arith.constant 240 : index
      %parallel_loop3A_182 = tpu.vector_load %arg5[%parallel_loop3A_180, %parallel_loop3A_181] {strides = array<i32>} : memref<32x256xi32, #tpu.memory_space<vmem>>, vector<16xi32>,
      %parallel_loop3A_183 = arith.index_cast %parallel_loop3A_59 : i32 to index
      %parallel_loop3A_184 = arith.constant 240 : index
      %parallel_loop3A_185 = tpu.vector_load %arg6[%parallel_loop3A_183, %parallel_loop3A_184] {strides = array<i32>} : memref<32x256xf32, #tpu.memory_space<vmem>>, vector<16xf32>,
      %parallel_loop3A_186 = vector.broadcast %parallel_loop3A_61 : i32 to vector<16xi32>
      %parallel_loop3A_187 = arith.addi %parallel_loop3A_174, %parallel_loop3A_186 : vector<16xi32>
      tpu.vector_store_idx %arg7[%parallel_loop3A_187], %parallel_loop3A_177 {add = true} : memref<65536xf32, #tpu.memory_space<vmem>>[vector<16xi32>], vector<16xf32>,
      %parallel_loop3A_188 = vector.broadcast %parallel_loop3A_61 : i32 to vector<16xi32>
      %parallel_loop3A_189 = arith.addi %parallel_loop3A_182, %parallel_loop3A_188 : vector<16xi32>
      tpu.vector_store_idx %arg7[%parallel_loop3A_189], %parallel_loop3A_185 {add = true} : memref<65536xf32, #tpu.memory_space<vmem>>[vector<16xi32>], vector<16xf32>,
    } {sc.loop_unroll_factor = 1 : i64, sc.parallel_access}
    %add3A_37 = arith.constant 16 : i32
    %add3A_38 = arith.addi %mul3A_2, %add3A_37 : i32
    %mul3A_39 = arith.constant 2048 : i32
    %mul3A_40 = arith.muli %add3A_38, %mul3A_39 : i32
    %dma_start3A_41 = arith.constant 32768 : i32
    %dma_start3A_42 = tpu.memref_slice %arg7[%dma_start3A_41] : memref<65536xf32, #tpu.memory_space<vmem>> -> memref<32768xf32, #tpu.memory_space<vmem>>
    %dma_start3A_43 = tpu.memref_slice %arg4[%mul3A_40] : memref<2097152xf32, #tpu.memory_space<hbm>> -> memref<32768xf32, #tpu.memory_space<hbm>>
    %dma_start3A_44 = tpu.memref_slice %arg4[%mul3A_40] : memref<2097152xf32, #tpu.memory_space<hbm>> -> memref<32768xf32, #tpu.memory_space<hbm>>
    %dma_start3A_45 = arith.constant 32768 : i32
    %dma_start3A_46 = tpu.memref_slice %arg7[%dma_start3A_45] : memref<65536xf32, #tpu.memory_space<vmem>> -> memref<32768xf32, #tpu.memory_space<vmem>>
    tpu.enqueue_dma source(%dma_start3A_46 : memref<32768xf32, #tpu.memory_space<vmem>>) target(%dma_start3A_44 : memref<32768xf32, #tpu.memory_space<hbm>>) target_semaphore(%arg9 : memref<!tpu.dma_semaphore, #tpu.memory_space<semaphore_mem>>)
    %dma_wait3A_47 = arith.constant 0 : i32
    %dma_wait3A_48 = tpu.memref_slice %arg7[%dma_wait3A_47] : memref<65536xf32, #tpu.memory_space<vmem>> -> memref<32768xf32, #tpu.memory_space<vmem>>
    %dma_wait3A_49 = tpu.memref_slice %arg4[%mul3A_27] : memref<2097152xf32, #tpu.memory_space<hbm>> -> memref<32768xf32, #tpu.memory_space<hbm>>
    %dma_wait3A_50 = tpu.memref_slice %arg4[%mul3A_27] : memref<2097152xf32, #tpu.memory_space<hbm>> -> memref<32768xf32, #tpu.memory_space<hbm>>
    %dma_wait3A_51 = arith.constant 0 : i32
    %dma_wait3A_52 = tpu.memref_slice %arg7[%dma_wait3A_51] : memref<65536xf32, #tpu.memory_space<vmem>> -> memref<32768xf32, #tpu.memory_space<vmem>>
    tpu.wait_dma2 semaphore(%arg9 : memref<!tpu.dma_semaphore, #tpu.memory_space<semaphore_mem>>) src(%dma_wait3A_52 : memref<32768xf32, #tpu.memory_space<vmem>>) dst(%dma_wait3A_50 : memref<32768xf32, #tpu.memory_space<hbm>>)
    %dma_wait3A_53 = arith.constant 32768 : i32
    %dma_wait3A_54 = tpu.memref_slice %arg7[%dma_wait3A_53] : memref<65536xf32, #tpu.memory_space<vmem>> -> memref<32768xf32, #tpu.memory_space<vmem>>
    %dma_wait3A_55 = tpu.memref_slice %arg4[%mul3A_40] : memref<2097152xf32, #tpu.memory_space<hbm>> -> memref<32768xf32, #tpu.memory_space<hbm>>
    %dma_wait3A_56 = tpu.memref_slice %arg4[%mul3A_40] : memref<2097152xf32, #tpu.memory_space<hbm>> -> memref<32768xf32, #tpu.memory_space<hbm>>
    %dma_wait3A_57 = arith.constant 32768 : i32
    %dma_wait3A_58 = tpu.memref_slice %arg7[%dma_wait3A_57] : memref<65536xf32, #tpu.memory_space<vmem>> -> memref<32768xf32, #tpu.memory_space<vmem>>
    tpu.wait_dma2 semaphore(%arg9 : memref<!tpu.dma_semaphore, #tpu.memory_space<semaphore_mem>>) src(%dma_wait3A_58 : memref<32768xf32, #tpu.memory_space<vmem>>) dst(%dma_wait3A_56 : memref<32768xf32, #tpu.memory_space<hbm>>)
    return
  }
}

module attributes {stable_mosaic.version = 14 : i64} {
  func.func @_mm_body(%arg0: i32, %arg1: memref<256x2048xf32, #tpu.memory_space<vmem>>, %arg2: memref<1048576xf32, #tpu.memory_space<vmem>>, %arg3: memref<1x512xf32, #tpu.memory_space<vmem>>, %arg4: memref<256x512xf32, #tpu.memory_space<vmem>>) attributes {dimension_semantics = [#tpu.dimension_semantics<arbitrary>], iteration_bounds = array<i64: 2>, scalar_prefetch = 0 : i64, scratch_operands = 0 : i64, tpu.core_type = #tpu.core_type<tc>, window_params = [{pipeline_mode = #tpu.pipeline_mode<synchronous>, transform_indices = @transform_0, window_bounds = array<i64: 256, 2048>}, {transform_indices = @transform_1, window_bounds = array<i64: 1048576>}, {transform_indices = @transform_2, window_bounds = array<i64: 1, 512>}, {transform_indices = @transform_3, window_bounds = array<i64: 256, 512>}]} {
    %get3A = arith.constant 0 : index
    %get3A_0 = vector.load %arg2[%get3A] : memref<1048576xf32, #tpu.memory_space<vmem>>, vector<1048576xf32>
    %reshape3A = vector.shape_cast %get3A_0 : vector<1048576xf32> to vector<512x2048xf32>
    %get3A_1 = arith.constant 0 : index
    %get3A_2 = arith.constant 0 : index
    %get3A_3 = vector.load %arg1[%get3A_1, %get3A_2] : memref<256x2048xf32, #tpu.memory_space<vmem>>, vector<256x2048xf32>
    %dot_general3A = arith.constant dense<0.000000e+00> : vector<256x512xf32>
    %dot_general3A_4 = tpu.matmul %get3A_3, %reshape3A, %dot_general3A {dimension_numbers = #tpu.dot_dimension_numbers<[1], [1], [0], [0], [0, 0, 1, 0], [], []>, transpose_lhs_hint = false} : vector<256x2048xf32>, vector<512x2048xf32>, vector<256x512xf32> -> vector<256x512xf32>
    %get3A_5 = arith.constant 0 : index
    %get3A_6 = arith.constant 0 : index
    %get3A_7 = vector.load %arg3[%get3A_5, %get3A_6] : memref<1x512xf32, #tpu.memory_space<vmem>>, vector<1x512xf32>
    %add3A = vector.broadcast %get3A_7 : vector<1x512xf32> to vector<256x512xf32>
    %add3A_8 = arith.addf %dot_general3A_4, %add3A : vector<256x512xf32>
    %swap3A = arith.constant 0 : index
    %swap3A_9 = arith.constant 0 : index
    %swap3A_10 = vector.load %arg4[%swap3A, %swap3A_9] : memref<256x512xf32, #tpu.memory_space<vmem>>, vector<256x512xf32>
    tpu.vector_store %arg4[%swap3A, %swap3A_9], %add3A_8 {strides = array<i32>} : memref<256x512xf32, #tpu.memory_space<vmem>>, vector<256x512xf32>,
    return
  }
  func.func @transform_0(%arg0: i32) -> (i32, i32) {
    %c0_i32 = arith.constant 0 : i32
    %c0_i32_0 = arith.constant 0 : i32
    %c0_i32_1 = arith.constant 0 : i32
    return %c0_i32, %c0_i32_0 : i32, i32
  }
  func.func @transform_1(%arg0: i32) -> i32 {
    %c0_i32 = arith.constant 0 : i32
    return %arg0 : i32
  }
  func.func @transform_2(%arg0: i32) -> (i32, i32) {
    %c0_i32 = arith.constant 0 : i32
    %c0_i32_0 = arith.constant 0 : i32
    return %c0_i32, %arg0 : i32, i32
  }
  func.func @transform_3(%arg0: i32) -> (i32, i32) {
    %c0_i32 = arith.constant 0 : i32
    %c0_i32_0 = arith.constant 0 : i32
    return %c0_i32, %arg0 : i32, i32
  }
}

</mosaic_0001>

<sc_bundles>
// kernel: kernel.4.cloned.1.call-start
scs
__scs_entry_jumppad:
0x0: {  	(pc) =	sbr.rel $0x88, $3  }
0x1: {  	(tag) =	ssettag $0x0;
	lr =	simm.s32 $0x1  }
0x2: {  	[smem:$0x3F9D] =	sst lr;
	_ =	strace $0xD0000000  }
0x3: {  	_ = 	snop  }
0x4: {  	_ = 	snop  }
0x5: {  	_ = 	snop  }
0x6: {  	_ = 	snop  }
0x7: {  	_ = 	snop  }
__scs_overlays_trampoline_lowered:
0x8: {  	[smem:$0x3FAC] =	sst s0  }
0x9: {  	[smem:$0x3FAD] =	sst s1  }
0xa: {  	[smem:$0x3FAE] =	sst s2  }
0xb: {  	[smem:$0x3FAF] =	sst s3  }
0xc: {  	[smem:$0x3FB0] =	sst s4  }
0xd: {  	[smem:$0x3FB1] =	sst s5  }
0xe: {  	[smem:$0x3FB2] =	sst s6  }
0xf: {  	[smem:$0x3FB3] =	sst s7  }
0x10: {  	[smem:$0x3FB4] =	sst s8  }
0x11: {  	[smem:$0x3FB5] =	sst s9;
	s0 =	simm.s32 @!p0 $0x0  }
0x12: {  	s1 =	sld [smem:$0x3F9B];
	s0 =	simm.s32 @p0 $0x1  }
0x13: {  	[smem:$0x3FB6] =	sst s0;
	s0 =	simm.s32 @!p1 $0x0  }
0x14: {  	s2 =	sld [smem:$0x3F9A];
	s0 =	simm.s32 @p1 $0x1  }
0x15: {  	[smem:$0x3FB7] =	sst s0;
	s0 =	simm.s32 @!p2 $0x0  }
0x16: {  	s3 =	sld [smem:$0x3FDB];
	s0 =	simm.s32 @p2 $0x1  }
0x17: {  	s4 =	simm.s32 $0x1BF5;
	[smem:$0x3FB9] =	sst s0  }
0x18: {  	s0 =	sld [smem:$0x3F9C];
	_ =	swait.ge [sflag:s4], $0x0  }
0x19: {  	s7 =	sld [smem:$0x3F9D]  }
0x1a: {  	s8 =	sadd.s32 $0xFFFFE003, lr  }
0x1b: {  	s9 =	sadd.s32 $0xFFFFFEF7, lr;
	s5 =	simm.s32 $0xFFFFFFFF;
	p2 =	slt.u32 s8, $0xFFFFF086  }
0x1c: {  	p1 =	slt.u32 s9, $0xF7A;
	s5 =	simm.s32 @!p2 $0x0  }
0x1d: {  	s5 =	simm.s32 @p1 $0x1;
	p0 =	seq.s32 s7, s2  }
0x1e: {  	s7 =	smul.u32 @!p0 $0xF7A, s2;
	p2 =	seq.s32 @!p0 s5, $0x0  }
0x1f: {  	s9 =	smul.u32 $0xF7A, s1;
	s8 =	simm.s32 @!p0 $0x1BF5;
	p2 =	por !p2, p0  }
0x20: {  	[sflag:s8] =	ssyncset.s32 @!p0 $0xFFFFF086;
	s6 =	sadd.s32 @!p0 s3, s7;
	s7 =	simm.s32 @!p0 $0x108  }
0x21: {  	s3 =	sadd.s32 s3, s9;
	s6 =	sadd.s32 @!p0 $0x88, s6;
	s7 =	simm.s32 @p2 $0x1082  }
0x22: {  	[simem:s7], [sflag:s8] =	dma.local @!p0 [hbm:s6], $0xF7A  }
0x23: {  	s9 =	sor.u32 $0xD0000000, s2;
	s6 =	simm.s32 $0x108;
	_ =	swait.ge @!p0 [sflag:s8], $0x0  }
0x24: {  	s3 =	sadd.s32 $0x88, s3;
	s6 =	simm.s32 @!p1 $0x1082;
	[sflag:s4] =	ssyncset.s32 $0xFFFFF086  }
0x25: {  	[simem:s6], [sflag:s4] =	dma.local [hbm:s3], $0xF7A  }
0x26: {  	[smem:$0x3F9D] =	sst s1;
	(tag) =	ssettag s2;
	_ =	strace s9  }
0x27: {  	s1 =	sld [smem:$0x3FAD]  }
0x28: {  	s2 =	sld [smem:$0x3FAE]  }
0x29: {  	s4 =	sld [smem:$0x3FB0]  }
0x2a: {  	p0 =	seq.s32 s5, $0x0;
	s5 =	sld [smem:$0x3FB1]  }
0x2b: {  	s6 =	sld [smem:$0x3FB2]  }
0x2c: {  	s7 =	sld [smem:$0x3FB3]  }
0x2d: {  	s3 =	simm.s32 $0x108;
	s8 =	sld [smem:$0x3FB4]  }
0x2e: {  	s3 =	simm.s32 @!p0 $0x1082;
	s9 =	sld [smem:$0x3FB5]  }
0x2f: {  	lr =	sadd.s32 s0, s3;
	s0 =	sld [smem:$0x3FAC]  }
0x30: {  	s3 =	sld [smem:$0x3FAF]  }
0x31: {  	[smem:$0x3FB8] =	sst s10  }
0x32: {  	s10 =	sld [smem:$0x3FB6];
	_ =	sdelay $0x3  }
0x33: {  	p0 =	seq.s32 s10, $0x1;
	s10 =	sld [smem:$0x3FB8];
	_ =	sdelay $0x3  }
0x34: {  	[smem:$0x3FB8] =	sst s10  }
0x35: {  	s10 =	sld [smem:$0x3FB7];
	_ =	sdelay $0x3  }
0x36: {  	p1 =	seq.s32 s10, $0x1;
	s10 =	sld [smem:$0x3FB8];
	_ =	sdelay $0x3  }
0x37: {  	[smem:$0x3FB8] =	sst s10  }
0x38: {  	s10 =	sld [smem:$0x3FB9]  }
0x39: {  	_ = 	snop;
	(pc) =	sbr.ind lr, $3  }
0x3a: {  	_ = 	snop  }
0x3b: {  	_ = 	snop  }
0x3c: {  	p2 =	seq.s32 s10, $0x1;
	s10 =	sld [smem:$0x3FB8]  }
0x3d: {  	_ =	shalt  }
0x3e: {  	_ =	shalt  }
0x3f: {  	_ =	shalt  }
0x40: {  	_ =	shalt  }
0x41: {  	_ =	shalt  }
0x42: {  	_ =	shalt  }
0x43: {  	_ =	shalt  }
0x44: {  	_ =	shalt  }
0x45: {  	_ =	shalt  }
0x46: {  	_ =	shalt  }
0x47: {  	_ =	shalt  }
0x48: {  	_ =	shalt  }
0x49: {  	_ =	shalt  }
0x4a: {  	_ =	shalt  }
0x4b: {  	_ =	shalt  }
0x4c: {  	_ =	shalt  }
0x4d: {  	_ =	shalt  }
0x4e: {  	_ =	shalt  }
0x4f: {  	_ =	shalt  }
0x50: {  	_ =	shalt  }
0x51: {  	_ =	shalt  }
0x52: {  	_ =	shalt  }
0x53: {  	_ =	shalt  }
0x54: {  	_ =	shalt  }
0x55: {  	_ =	shalt  }
0x56: {  	_ =	shalt  }
0x57: {  	_ =	shalt  }
0x58: {  	_ =	shalt  }
0x59: {  	_ =	shalt  }
0x5a: {  	_ =	shalt  }
0x5b: {  	_ =	shalt  }
0x5c: {  	_ =	shalt  }
0x5d: {  	_ =	shalt  }
0x5e: {  	_ =	shalt  }
0x5f: {  	_ =	shalt  }
0x60: {  	_ =	shalt  }
0x61: {  	_ =	shalt  }
0x62: {  	_ =	shalt  }
0x63: {  	_ =	shalt  }
0x64: {  	_ =	shalt  }
0x65: {  	_ =	shalt  }
0x66: {  	_ =	shalt  }
0x67: {  	_ =	shalt  }
0x68: {  	_ =	shalt  }
0x69: {  	_ =	shalt  }
0x6a: {  	_ =	shalt  }
0x6b: {  	_ =	shalt  }
0x6c: {  	_ =	shalt  }
0x6d: {  	_ =	shalt  }
0x6e: {  	_ =	shalt  }
0x6f: {  	_ =	shalt  }
0x70: {  	_ =	shalt  }
0x71: {  	_ =	shalt  }
0x72: {  	_ =	shalt  }
0x73: {  	_ =	shalt  }
0x74: {  	_ =	shalt  }
0x75: {  	_ =	shalt  }
0x76: {  	_ =	shalt  }
0x77: {  	_ =	shalt  }
0x78: {  	_ =	shalt  }
0x79: {  	_ =	shalt  }
0x7a: {  	_ =	shalt  }
0x7b: {  	_ =	shalt  }
0x7c: {  	_ =	shalt  }
0x7d: {  	_ =	shalt  }
0x7e: {  	_ =	shalt  }
0x7f: {  	_ =	shalt  }
0x80: {  	_ =	shalt  }
0x81: {  	_ =	shalt  }
0x82: {  	_ =	shalt  }
0x83: {  	_ =	shalt  }
0x84: {  	_ =	shalt  }
0x85: {  	_ =	shalt  }
0x86: {  	_ =	shalt  }
0x87: {  	_ =	shalt  }
.Lfunc_end0:
.L_simem_size_0:
called_computation_lowered:
.L_overlay_start_0:
0x88: {  	s2 =	sld [smem:$0x3FD9]  }
0x89: {  	s3 =	sld [smem:$0x3FFE];
	_ =	sdelay $0x1  }
0x8a: {  	s1 =	srdreg.scid  }
0x8b: {  	s0 =	sand.u32 $0x1, s1  }
0x8c: {  	s17 =	sshll.u32 s0, $0xA;
	s2 =	sadd.s32 s3, s2  }
0x8d: {  	s2 =	sadd.s32 s2, s17  }
0x8e: {  	[smem:$0x3FC4] =	sst s2  }
0x8f: {  	_ = 	snop  }
0x90: {  	s2 =	sld [smem:$0x3FC8]  }
0x91: {  	s18 =	sld [smem:$0x3FC7];
	(tm) =	ssettm $0x1  }
0x92: {  	s4 =	sld [smem:$0x3FFB];
	_ =	sdelay $0x3  }
0x93: {  	_ =	strace s4  }
0x94: {  	s4 =	sld [smem:$0x3FFC];
	_ =	sdelay $0x3  }
0x95: {  	_ =	strace s4  }
0x96: {  	s4 =	sld [smem:$0x3FFD];
	_ =	sdelay $0x3  }
0x97: {  	_ =	strace s4  }
0x98: {  	_ =	strace $0x8FFFFFFF  }
0x99: {  	s19 =	sld [smem:$0x3FDB];
	_ =	sdelay $0x1  }
0x9a: {  	s5 =	simm.s32 $_scs_section_size  }
0x9b: {  	s6 =	simm.s32 $_size__tile_overlayer_lowered;
	s7 =	simm.s32 $_tile_overlayer_lowered  }
0x9c: {  	s22 =	simm.s32 $0x1BFF;
	s21 =	sshll.u32 s7, $0x1;
	s4 =	sadd.s32 s5, s19  }
0x9d: {  	s8 =	simm.s32 $0x0;
	s20 =	sshll.u32 s6, $0x1;
	s6 =	sadd.s32 s21, s4  }
0x9e: {  	[timem:s8], [sflag:s22] =	dma.local [hbm:s6], s20  }
0x9f: {  	_ =	swait.ge [sflag:s22], s20  }
0xa0: {  	s5 =	ssub.s32 $0x0, s20;
	[sflag:s22] =	ssyncset.done $0x0  }
0xa1: {  	[sflag:s22] =	ssyncadd.s32 s5;
	_ =	sdelay $0x1  }
0xa2: {  	s23 =	simm.s32 $0x1B8B  }
0xa3: {  	_ =	swait.ge [sflag:s23], $0x1  }
0xa4: {  	[sflag:s23] =	ssyncset.done $0x0  }
0xa5: {  	s25 =	simm.s32 $0x1B8E;
	s24 =	sld [smem:$0x3FFE];
	[sflag:s23] =	ssyncadd.s32 $0xFFFFFFFF  }
0xa6: {  	s26 =	simm.s32 $execute0_lowered;
	[smem:$0x3FD2] =	sst s25  }
0xa7: {  	s6 =	sshll.u32 s26, $0x1;
	_ =	strace $0x80000046;
	[dreg:$0x1] =	wrdreg $0xFFFFFFFF  }
0xa8: {  	s28 =	simm.s32 $_size_execute0_lowered;
	s4 =	sadd.s32 s4, s6;
	[dreg:$0x0] =	wrdreg $0x0  }
0xa9: {  	s6 =	sshll.u32 s28, $0x1;
	[dreg:$0x2] =	wrdreg s4  }
0xaa: {  	[dreg:$0x3] =	wrdreg s6  }
0xab: {  	[dreg:$0x4] =	wrdreg $0xC0  }
0xac: {  	_ =	task [dreg:s8], $0x5FFFF  }
0xad: {  	[dreg:$0x1] =	wrdreg $0xFFFFFFFF  }
0xae: {  	[dreg:$0x0] =	wrdreg $0x60  }
0xaf: {  	[dreg:$0x2] =	wrdreg s2  }
0xb0: {  	[dreg:$0x3] =	wrdreg s18  }
0xb1: {  	[dreg:$0x4] =	wrdreg s24  }
0xb2: {  	[dreg:$0x5] =	wrdreg $0x9  }
0xb3: {  	_ =	task.clear_ibuf [dreg:s8], $0x6FFFF;
	_ =	strace $0x90000046  }
0xb4: {  	s29 =	simm.s32 $0x9;
	_ =	strace $0x80000048  }
0xb5: {  	_ =	swait.ge [sflag:s29], $0x1  }
0xb6: {  	[sflag:s29] =	ssyncadd.s32 $0xFFFFFFFF  }
0xb7: {  	_ =	strace $0x90000048  }
0xb8: {  	_ =	sfence  }
0xb9: {  	s30 =	sld [smem:$0x0];
	_ =	sdelay $0x2  }
0xba: {  	s31 =	sshll.u32 s1, $0xD;
	s1 =	sshrl.u32 s1, $0x2  }
0xbb: {  	s3 =	sand.u32 $0x4000, s31;
	s1 =	sadd.s32 s1, s30  }
0xbc: {  	s0 =	sor.u32 s3, s0;
	s1 =	sshll.u32 s1, $0x11  }
0xbd: {  	s0 =	sor.u32 s1, s0  }
0xbe: {  	s0 =	sadd.s32 $0x8F2B, s0  }
0xbf: {  	[sflag:s0] =	ssyncadd.remote.s32 $0x1  }
0xc0: {  	_ =	sfence.sel $0xFFFF  }
0xc1: {  	[dreg:$0x0] =	wrdreg $0xFFFFFFFF;
	(pc) =	sbr.abs _section_cstart, $3  }
0xc2: {  	[dreg:$0x1] =	wrdreg $0xFFFFFFFF  }
0xc3: {  	_ =	task.clear_ibuf [dreg:s8], $0x2FFFF;
	_ =	strace $0x9FFFFFFF  }
0xc4: {  	(tm) =	ssettm $0x7FFFFFFF  }
0xc5: {  	_ =	shalt  }
tec
execute0_lowered:
.L_overlay_start_1:
0x0: {  	(tag) =	ssettag $0x1  }
0x1: {  	s3 =	rddreg [dreg:$0x0]  }
0x2: {  	s4 =	rddreg [dreg:$0x1]  }
0x3: {  	s5 =	rddreg [dreg:$0x2]  }
0x4: {  	s0 =	rddreg [dreg:$0x3];
	s6 =	srdreg.scid  }
0x5: {  	s1 =	stileid.u32;
	s2 =	simm.s32 $0x0;
	s10 =	simm.s32 $0x4000  }
0x6: {  	s11 =	simm.s32 $0xC000;
	s12 =	simm.s32 $0x2;
	s13 =	simm.s32 $0x0  }
0x7: {  	s6 =	sand.u32 $0x1, s6;
	s7 =	sshll.u32 s1, $0x1;
	[smem:$0x7FF] =	sst s2  }
0x8: {  	s7 =	sor.u32 s6, s7;
	_ =	strace $0x80000047;
	s6 =	ssub.s32 $0x2, s6  }
0x9: {  	s8 =	sshll.u32 s7, $0xD;
	s31 =	sshrl.u32 s6, $0x1;
	s7 =	sshll.u32 s7, $0xA  }
0xa: {  	s8 =	sadd.s32 s8, s5;
	s9 =	ssub.s32 s6, s31;
	s3 =	sadd.s32 s3, s7  }
0xb: {  	s4 =	sadd.s32 s4, s7;
	s5 =	sadd.s32 $0xA00, s8;
	s6 =	sadd.s32 $0x1A00, s8  }
0xc: {  	v0 =	vimm.f32 $0.0e+00;
	s7 =	smax.u32 s9, $0x1;
	s8 =	simm.s32 $0x2000;
	s9 =	simm.s32 $0x1  }
.LBB2_1:
0xd: {  	[tilespmem:s2], [sflag:$0x1] =	stream.linear.gather [hbm4b:s3+s2], $0x2000, $0x38;
	[tilespmem:$0x14000] =	vst v63  }
0xe: {  	s14 =	simm.s32 $0x4100  }
0xf: {  	[tilespmem:s8], [sflag:$0x1] =	stream.linear.gather [hbm4b:s4+s2], $0x2000, $0x38;
	[tilespmem:$0x14000] =	vst v63  }
0x10: {  	[tilespmem:s14+$0xFFFFFF00] =	vst v0  }
0x11: {  	[tilespmem:s14+$0xF0] =	vst v0  }
0x12: {  	[tilespmem:s14+$0xE0] =	vst v0  }
0x13: {  	[tilespmem:s14+$0xD0] =	vst v0  }
0x14: {  	[tilespmem:s14+$0xC0] =	vst v0  }
0x15: {  	[tilespmem:s14+$0xB0] =	vst v0  }
0x16: {  	[tilespmem:s14+$0xA0] =	vst v0  }
0x17: {  	[tilespmem:s14+$0x90] =	vst v0  }
0x18: {  	[tilespmem:s14+$0x80] =	vst v0  }
0x19: {  	[tilespmem:s14+$0x70] =	vst v0  }
0x1a: {  	[tilespmem:s14+$0x60] =	vst v0  }
0x1b: {  	[tilespmem:s14+$0x50] =	vst v0  }
0x1c: {  	[tilespmem:s14+$0x40] =	vst v0  }
0x1d: {  	[tilespmem:s14+$0x30] =	vst v0  }
0x1e: {  	[tilespmem:s14+$0x20] =	vst v0  }
0x1f: {  	[tilespmem:s14+$0x10] =	vst v0  }
0x20: {  	[tilespmem:s14+$0x0] =	vst v0  }
0x21: {  	[tilespmem:s14+$0xFFFFFFF0] =	vst v0  }
0x22: {  	[tilespmem:s14+$0xFFFFFFE0] =	vst v0  }
0x23: {  	[tilespmem:s14+$0xFFFFFFD0] =	vst v0  }
0x24: {  	[tilespmem:s14+$0xFFFFFFC0] =	vst v0  }
0x25: {  	[tilespmem:s14+$0xFFFFFFB0] =	vst v0  }
0x26: {  	[tilespmem:s14+$0xFFFFFFA0] =	vst v0  }
0x27: {  	[tilespmem:s14+$0xFFFFFF90] =	vst v0  }
0x28: {  	[tilespmem:s14+$0xFFFFFF80] =	vst v0  }
0x29: {  	[tilespmem:s14+$0xFFFFFF70] =	vst v0  }
0x2a: {  	[tilespmem:s14+$0xFFFFFF60] =	vst v0  }
0x2b: {  	[tilespmem:s14+$0xFFFFFF50] =	vst v0  }
0x2c: {  	[tilespmem:s14+$0xFFFFFF40] =	vst v0  }
0x2d: {  	[tilespmem:s14+$0xFFFFFF30] =	vst v0  }
0x2e: {  	s15 =	simm.s32 $0x0;
	[tilespmem:s14+$0xFFFFFF20] =	vst v0  }
.LBB2_2:
0x2f: {  	s15 =	sadd.s32 $0x20, s15;
	[tilespmem:s14+$0xFFFFFF10] =	vst v0;
	s14 =	sadd.s32 $0x200, s14  }
0x30: {  	[tilespmem:s14+$0xFFFFFF00] =	vst v0;
	p0 =	slt.u32 s15, $0xFE0  }
0x31: {  	[tilespmem:s14+$0xF0] =	vst v0  }
0x32: {  	[tilespmem:s14+$0xE0] =	vst v0  }
0x33: {  	[tilespmem:s14+$0xD0] =	vst v0  }
0x34: {  	[tilespmem:s14+$0xC0] =	vst v0  }
0x35: {  	[tilespmem:s14+$0xB0] =	vst v0  }
0x36: {  	[tilespmem:s14+$0xA0] =	vst v0  }
0x37: {  	[tilespmem:s14+$0x90] =	vst v0  }
0x38: {  	[tilespmem:s14+$0x80] =	vst v0  }
0x39: {  	[tilespmem:s14+$0x70] =	vst v0  }
0x3a: {  	[tilespmem:s14+$0x60] =	vst v0  }
0x3b: {  	[tilespmem:s14+$0x50] =	vst v0  }
0x3c: {  	[tilespmem:s14+$0x40] =	vst v0  }
0x3d: {  	[tilespmem:s14+$0x30] =	vst v0  }
0x3e: {  	[tilespmem:s14+$0x20] =	vst v0  }
0x3f: {  	[tilespmem:s14+$0x10] =	vst v0  }
0x40: {  	[tilespmem:s14+$0x0] =	vst v0  }
0x41: {  	[tilespmem:s14+$0xFFFFFFF0] =	vst v0  }
0x42: {  	[tilespmem:s14+$0xFFFFFFE0] =	vst v0  }
0x43: {  	[tilespmem:s14+$0xFFFFFFD0] =	vst v0  }
0x44: {  	[tilespmem:s14+$0xFFFFFFC0] =	vst v0  }
0x45: {  	[tilespmem:s14+$0xFFFFFFB0] =	vst v0  }
0x46: {  	[tilespmem:s14+$0xFFFFFFA0] =	vst v0  }
0x47: {  	[tilespmem:s14+$0xFFFFFF90] =	vst v0  }
0x48: {  	[tilespmem:s14+$0xFFFFFF80] =	vst v0  }
0x49: {  	[tilespmem:s14+$0xFFFFFF70] =	vst v0  }
.Ltmp0:
0x4a: {  	[tilespmem:s14+$0xFFFFFF60] =	vst v0;
	(pc) =	sbr.rel @p0 .LBB2_2-.Ltmp0, $4  }
0x4b: {  	[tilespmem:s14+$0xFFFFFF50] =	vst v0  }
0x4c: {  	[tilespmem:s14+$0xFFFFFF40] =	vst v0  }
0x4d: {  	[tilespmem:s14+$0xFFFFFF30] =	vst v0  }
0x4e: {  	[tilespmem:s14+$0xFFFFFF20] =	vst v0  }
0x4f: {  	[tilespmem:s14+$0xFFFFFF10] =	vst v0  }
0x50: {  	_ =	swait.ge [sflag:s9], $0x2000  }
0x51: {  	[sflag:s9] =	ssyncset.done $0x0  }
0x52: {  	[sflag:s9] =	ssyncadd.s32 $0xFFFFE000  }
0x53: {  	s14 =	simm.s32 $0x0;
	_ =	swait.ge [sflag:s9], $0x2000  }
0x54: {  	s15 =	sand.u32 $0x800, s14;
	s16 =	sand.u32 $0x380, s14;
	[sflag:s9] =	ssyncset.done $0x0  }
0x55: {  	s15 =	sor.u32 s16, s15;
	[sflag:s9] =	ssyncadd.s32 $0xFFFFE000  }
0x56: {  	v1 =	vld [tilespmem:s15+$0x0];
	_ =	sdelay $0x2  }
0x57: {  	v2 =	vld [tilespmem:s15+$0x10];
	_ =	sdelay $0x1  }
0x58: {  	v3 =	vld [tilespmem:s15+$0x2000];
	v1 =	vadd.s32 s14, v1;
	_ =	sdelay $0x2  }
0x59: {  	v4 =	vld [tilespmem:s15+$0x2010];
	v2 =	vadd.s32 s14, v2;
	_ =	sdelay $0x1  }
0x5a: {  	[tilespmem:v1+s10+$0x0] =	vst.idx.add.f32.msk $0xffff, v3  }
0x5b: {  	v1 =	vld [tilespmem:s15+$0x20]  }
0x5c: {  	v3 =	vld [tilespmem:s15+$0x2020]  }
0x5d: {  	[tilespmem:v2+s10+$0x0] =	vst.idx.add.f32.msk $0xffff, v4  }
0x5e: {  	v2 =	vld [tilespmem:s15+$0x30];
	_ =	sdelay $0x1  }
0x5f: {  	v1 =	vadd.s32 s14, v1;
	_ =	sdelay $0x2  }
0x60: {  	v4 =	vld [tilespmem:s15+$0x2030];
	v2 =	vadd.s32 s14, v2;
	_ =	sdelay $0x1  }
0x61: {  	[tilespmem:v1+s10+$0x0] =	vst.idx.add.f32.msk $0xffff, v3  }
0x62: {  	v1 =	vld [tilespmem:s15+$0x40]  }
0x63: {  	v3 =	vld [tilespmem:s15+$0x2040]  }
0x64: {  	[tilespmem:v2+s10+$0x0] =	vst.idx.add.f32.msk $0xffff, v4  }
0x65: {  	v2 =	vld [tilespmem:s15+$0x50];
	_ =	sdelay $0x1  }
0x66: {  	v1 =	vadd.s32 s14, v1;
	_ =	sdelay $0x2  }
0x67: {  	v4 =	vld [tilespmem:s15+$0x2050];
	v2 =	vadd.s32 s14, v2;
	_ =	sdelay $0x1  }
0x68: {  	[tilespmem:v1+s10+$0x0] =	vst.idx.add.f32.msk $0xffff, v3  }
0x69: {  	v1 =	vld [tilespmem:s15+$0x60]  }
0x6a: {  	v5 =	vld [tilespmem:s15+$0x2060]  }
0x6b: {  	[tilespmem:v2+s10+$0x0] =	vst.idx.add.f32.msk $0xffff, v4  }
0x6c: {  	v2 =	vld [tilespmem:s15+$0x70]  }
0x6d: {  	s18 =	simm.s32 $0x80;
	s19 =	simm.s32 $0x100  }
0x6e: {  	s31 =	sand.u32 $0x800, s19;
	s17 =	sand.u32 $0x380, s18;
	v1 =	vadd.s32 s14, v1  }
0x6f: {  	s16 =	sor.u32 s17, s31  }
0x70: {  	v7 =	vld [tilespmem:s16+$0x0]  }
0x71: {  	v6 =	vld [tilespmem:s15+$0x2070];
	v2 =	vadd.s32 s14, v2  }
0x72: {  	v3 =	vld [tilespmem:s16+$0x2000]  }
0x73: {  	[tilespmem:v1+s10+$0x0] =	vst.idx.add.f32.msk $0xffff, v5  }
0x74: {  	v4 =	vld [tilespmem:s15+$0x400]  }
0x75: {  	s17 =	simm.s32 $0x800;
	v1 =	vld [tilespmem:s15+$0x2400]  }
0x76: {  	[tilespmem:v2+s10+$0x0] =	vst.idx.add.f32.msk $0xffff, v6;
	v6 =	vadd.s32 s17, v7;
	_ =	sdelay $0x1  }
0x77: {  	v2 =	vld [tilespmem:s15+$0x410]  }
0x78: {  	s20 =	simm.s32 $0x1000;
	v5 =	vld [tilespmem:s16+$0x2010]  }
.LBB2_4:
0x79: {  	p0 =	sne.s32 s20, $0x7800;
	v7 =	vld [tilespmem:s16+$0x10];
	v4 =	vadd.s32 s14, v4  }
0x7a: {  	[tilespmem:v6+s10+$0x0] =	vst.idx.add.f32.msk $0xffff, v3  }
0x7b: {  	v3 =	vld [tilespmem:s16+$0x20]  }
0x7c: {  	v6 =	vld [tilespmem:s15+$0x2410];
	v2 =	vadd.s32 s14, v2  }
0x7d: {  	v8 =	vld [tilespmem:s16+$0x2020]  }
0x7e: {  	v7 =	vadd.s32 s17, v7;
	[tilespmem:v4+s10+$0x0] =	vst.idx.add.f32.msk $0xffff, v1  }
0x7f: {  	v1 =	vld [tilespmem:s15+$0x420]  }
0x80: {  	v4 =	vld [tilespmem:s15+$0x2420]  }
0x81: {  	v3 =	vadd.s32 s17, v3;
	[tilespmem:v2+s10+$0x0] =	vst.idx.add.f32.msk $0xffff, v6  }
0x82: {  	v2 =	vld [tilespmem:s15+$0x430]  }
0x83: {  	[tilespmem:v7+s10+$0x0] =	vst.idx.add.f32.msk $0xffff, v5  }
0x84: {  	v5 =	vld [tilespmem:s16+$0x2030];
	v1 =	vadd.s32 s14, v1  }
0x85: {  	v6 =	vld [tilespmem:s16+$0x30]  }
0x86: {  	[tilespmem:v3+s10+$0x0] =	vst.idx.add.f32.msk $0xffff, v8  }
0x87: {  	v3 =	vld [tilespmem:s15+$0x2430];
	v2 =	vadd.s32 s14, v2  }
0x88: {  	v7 =	vld [tilespmem:s16+$0x40]  }
0x89: {  	[tilespmem:v1+s10+$0x0] =	vst.idx.add.f32.msk $0xffff, v4  }
0x8a: {  	v1 =	vadd.s32 s17, v6;
	v4 =	vld [tilespmem:s15+$0x440]  }
0x8b: {  	v6 =	vld [tilespmem:s15+$0x2440]  }
0x8c: {  	[tilespmem:v2+s10+$0x0] =	vst.idx.add.f32.msk $0xffff, v3  }
0x8d: {  	v2 =	vld [tilespmem:s15+$0x450]  }
0x8e: {  	v7 =	vadd.s32 s17, v7;
	v3 =	vld [tilespmem:s16+$0x2040]  }
0x8f: {  	[tilespmem:v1+s10+$0x0] =	vst.idx.add.f32.msk $0xffff, v5;
	v1 =	vadd.s32 s14, v4  }
0x90: {  	v4 =	vld [tilespmem:s16+$0x2050]  }
0x91: {  	v5 =	vld [tilespmem:s16+$0x50]  }
0x92: {  	v8 =	vld [tilespmem:s15+$0x2450];
	v2 =	vadd.s32 s14, v2  }
0x93: {  	[tilespmem:v7+s10+$0x0] =	vst.idx.add.f32.msk $0xffff, v3  }
0x94: {  	[tilespmem:v1+s10+$0x0] =	vst.idx.add.f32.msk $0xffff, v6  }
0x95: {  	v1 =	vld [tilespmem:s15+$0x460]  }
0x96: {  	v3 =	vadd.s32 s17, v5;
	v5 =	vld [tilespmem:s15+$0x2460]  }
0x97: {  	[tilespmem:v2+s10+$0x0] =	vst.idx.add.f32.msk $0xffff, v8  }
0x98: {  	v2 =	vld [tilespmem:s15+$0x470]  }
0x99: {  	v6 =	vld [tilespmem:s16+$0x60]  }
0x9a: {  	v7 =	vld [tilespmem:s16+$0x2060]  }
0x9b: {  	s18 =	sadd.s32 $0x80, s18;
	s19 =	sadd.s32 $0x100, s19;
	[tilespmem:v3+s10+$0x0] =	vst.idx.add.f32.msk $0xffff, v4  }
0x9c: {  	s21 =	sand.u32 $0x800, s19;
	s22 =	sand.u32 $0x380, s18;
	v1 =	vadd.s32 s14, v1;
	v4 =	vld [tilespmem:s16+$0x70]  }
0x9d: {  	v8 =	vld [tilespmem:s15+$0x2470];
	v2 =	vadd.s32 s14, v2;
	s15 =	smov.u32 s16;
	s16 =	sor.u32 s22, s21;
	s14 =	smov.u32 s17  }
0x9e: {  	s17 =	smov.u32 s20;
	v3 =	vld [tilespmem:s16+$0x2000];
	v6 =	vadd.s32 s14, v6  }
0x9f: {  	v9 =	vld [tilespmem:s16+$0x0]  }
0xa0: {  	v10 =	vld [tilespmem:s15+$0x2070]  }
0xa1: {  	v11 =	vadd.s32 s14, v4;
	[tilespmem:v1+s10+$0x0] =	vst.idx.add.f32.msk $0xffff, v5  }
0xa2: {  	[tilespmem:v2+s10+$0x0] =	vst.idx.add.f32.msk $0xffff, v8  }
0xa3: {  	[tilespmem:v6+s10+$0x0] =	vst.idx.add.f32.msk $0xffff, v7  }
.Ltmp1:
0xa4: {  	v4 =	vld [tilespmem:s15+$0x400];
	(pc) =	sbr.rel @p0 .LBB2_4-.Ltmp1, $4  }
0xa5: {  	v6 =	vadd.s32 s20, v9;
	v1 =	vld [tilespmem:s15+$0x2400]  }
0xa6: {  	[tilespmem:v11+s10+$0x0] =	vst.idx.add.f32.msk $0xffff, v10  }
0xa7: {  	v2 =	vld [tilespmem:s15+$0x410]  }
0xa8: {  	s20 =	sadd.s32 $0x800, s20;
	v5 =	vld [tilespmem:s16+$0x2010]  }
0xa9: {  	v7 =	vld [tilespmem:s16+$0x10];
	_ =	sdelay $0x4  }
0xaa: {  	v7 =	vadd.s32 s17, v7  }
0xab: {  	[tilespmem:v6+s10+$0x0] =	vst.idx.add.f32.msk $0xffff, v3  }
0xac: {  	v3 =	vld [tilespmem:s16+$0x20];
	_ =	sdelay $0x1  }
0xad: {  	v6 =	vld [tilespmem:s16+$0x2020]  }
0xae: {  	[tilespmem:v7+s10+$0x0] =	vst.idx.add.f32.msk $0xffff, v5  }
0xaf: {  	v5 =	vld [tilespmem:s16+$0x30]  }
0xb0: {  	v3 =	vadd.s32 s17, v3;
	_ =	sdelay $0x3  }
0xb1: {  	v7 =	vld [tilespmem:s16+$0x2030];
	v5 =	vadd.s32 s17, v5  }
0xb2: {  	[tilespmem:v3+s10+$0x0] =	vst.idx.add.f32.msk $0xffff, v6  }
0xb3: {  	v3 =	vld [tilespmem:s16+$0x40];
	_ =	sdelay $0x1  }
0xb4: {  	v6 =	vld [tilespmem:s16+$0x2040]  }
0xb5: {  	[tilespmem:v5+s10+$0x0] =	vst.idx.add.f32.msk $0xffff, v7  }
0xb6: {  	v5 =	vld [tilespmem:s16+$0x50]  }
0xb7: {  	v3 =	vadd.s32 s17, v3;
	_ =	sdelay $0x3  }
0xb8: {  	v7 =	vld [tilespmem:s16+$0x2050];
	v5 =	vadd.s32 s17, v5  }
0xb9: {  	[tilespmem:v3+s10+$0x0] =	vst.idx.add.f32.msk $0xffff, v6  }
0xba: {  	v3 =	vld [tilespmem:s16+$0x60];
	_ =	sdelay $0x1  }
0xbb: {  	v6 =	vld [tilespmem:s16+$0x2060]  }
0xbc: {  	v4 =	vadd.s32 s14, v4;
	[tilespmem:v5+s10+$0x0] =	vst.idx.add.f32.msk $0xffff, v7  }
0xbd: {  	v5 =	vld [tilespmem:s16+$0x70]  }
0xbe: {  	v3 =	vadd.s32 s17, v3;
	_ =	sdelay $0x1  }
0xbf: {  	v7 =	vld [tilespmem:s15+$0x2410]  }
0xc0: {  	[tilespmem:v4+s10+$0x0] =	vst.idx.add.f32.msk $0xffff, v1  }
0xc1: {  	v1 =	vld [tilespmem:s16+$0x2070];
	v4 =	vadd.s32 s17, v5  }
0xc2: {  	[tilespmem:v3+s10+$0x0] =	vst.idx.add.f32.msk $0xffff, v6  }
0xc3: {  	v5 =	vld [tilespmem:s15+$0x420]  }
0xc4: {  	v2 =	vadd.s32 s14, v2;
	v3 =	vld [tilespmem:s16+$0x400]  }
0xc5: {  	v6 =	vld [tilespmem:s16+$0x2400]  }
0xc6: {  	[tilespmem:v4+s10+$0x0] =	vst.idx.add.f32.msk $0xffff, v1  }
0xc7: {  	v1 =	vld [tilespmem:s16+$0x410]  }
0xc8: {  	v4 =	vld [tilespmem:s15+$0x2420];
	v5 =	vadd.s32 s14, v5  }
0xc9: {  	[tilespmem:v2+s10+$0x0] =	vst.idx.add.f32.msk $0xffff, v7;
	v2 =	vadd.s32 s17, v3  }
0xca: {  	v3 =	vld [tilespmem:s15+$0x430]  }
0xcb: {  	v7 =	vld [tilespmem:s15+$0x2430]  }
0xcc: {  	v8 =	vld [tilespmem:s16+$0x2410];
	v1 =	vadd.s32 s17, v1  }
0xcd: {  	[tilespmem:v5+s10+$0x0] =	vst.idx.add.f32.msk $0xffff, v4  }
0xce: {  	[tilespmem:v2+s10+$0x0] =	vst.idx.add.f32.msk $0xffff, v6  }
0xcf: {  	v2 =	vld [tilespmem:s16+$0x420]  }
0xd0: {  	v3 =	vadd.s32 s14, v3;
	v4 =	vld [tilespmem:s16+$0x2420]  }
0xd1: {  	[tilespmem:v1+s10+$0x0] =	vst.idx.add.f32.msk $0xffff, v8  }
0xd2: {  	v1 =	vld [tilespmem:s16+$0x430]  }
0xd3: {  	v5 =	vld [tilespmem:s15+$0x440]  }
0xd4: {  	v6 =	vld [tilespmem:s15+$0x2440];
	v2 =	vadd.s32 s17, v2  }
0xd5: {  	[tilespmem:v3+s10+$0x0] =	vst.idx.add.f32.msk $0xffff, v7  }
0xd6: {  	v3 =	vld [tilespmem:s15+$0x450]  }
0xd7: {  	v7 =	vld [tilespmem:s16+$0x2430];
	v1 =	vadd.s32 s17, v1  }
0xd8: {  	v8 =	vld [tilespmem:s15+$0x2450]  }
0xd9: {  	v5 =	vadd.s32 s14, v5;
	[tilespmem:v2+s10+$0x0] =	vst.idx.add.f32.msk $0xffff, v4  }
0xda: {  	v2 =	vld [tilespmem:s16+$0x440]  }
0xdb: {  	v4 =	vld [tilespmem:s16+$0x2440]  }
0xdc: {  	v3 =	vadd.s32 s14, v3;
	[tilespmem:v1+s10+$0x0] =	vst.idx.add.f32.msk $0xffff, v7  }
0xdd: {  	v1 =	vld [tilespmem:s16+$0x450]  }
0xde: {  	[tilespmem:v5+s10+$0x0] =	vst.idx.add.f32.msk $0xffff, v6  }
0xdf: {  	v5 =	vld [tilespmem:s15+$0x460];
	v2 =	vadd.s32 s17, v2  }
0xe0: {  	v6 =	vld [tilespmem:s15+$0x2460]  }
0xe1: {  	[tilespmem:v3+s10+$0x0] =	vst.idx.add.f32.msk $0xffff, v8  }
0xe2: {  	v3 =	vld [tilespmem:s16+$0x2450];
	v1 =	vadd.s32 s17, v1  }
0xe3: {  	v7 =	vld [tilespmem:s15+$0x470]  }
0xe4: {  	[tilespmem:v2+s10+$0x0] =	vst.idx.add.f32.msk $0xffff, v4  }
0xe5: {  	v2 =	vld [tilespmem:s16+$0x460]  }
0xe6: {  	v4 =	vld [tilespmem:s16+$0x2460]  }
0xe7: {  	[tilespmem:v1+s10+$0x0] =	vst.idx.add.f32.msk $0xffff, v3  }
0xe8: {  	v1 =	vld [tilespmem:s16+$0x470];
	_ =	sdelay $0x1  }
0xe9: {  	v3 =	vadd.s32 s14, v5  }
0xea: {  	v2 =	vadd.s32 s17, v2  }
0xeb: {  	v7 =	vadd.s32 s14, v7;
	v5 =	vld [tilespmem:s15+$0x2470]  }
0xec: {  	v8 =	vld [tilespmem:s16+$0x2470];
	v1 =	vadd.s32 s17, v1;
	_ =	sdelay $0x1  }
0xed: {  	[tilespmem:v3+s10+$0x0] =	vst.idx.add.f32.msk $0xffff, v6  }
0xee: {  	s28 =	simm.s32 $0x800;
	s29 =	simm.s32 $0x1000;
	[tilespmem:v2+s10+$0x0] =	vst.idx.add.f32.msk $0xffff, v4  }
0xef: {  	s15 =	sand.u32 $0x1800, s29;
	s14 =	sand.u32 $0x380, s28;
	[tilespmem:v7+s10+$0x0] =	vst.idx.add.f32.msk $0xffff, v5  }
0xf0: {  	s14 =	sor.u32 s14, s15;
	[tilespmem:v1+s10+$0x0] =	vst.idx.add.f32.msk $0xffff, v8  }
0xf1: {  	[hbm4b:s5+s2] =	stream.linear.scatter [tilespmem:s10], [sflag:$0x2], $0x8000, $0x38;
	[tilespmem:$0x14000] =	vst v63  }
0xf2: {  	v1 =	vld [tilespmem:s14+$0x0];
	_ =	sdelay $0x2  }
0xf3: {  	v2 =	vld [tilespmem:s14+$0x10]  }
0xf4: {  	s15 =	simm.s32 $0x8000  }
0xf5: {  	v3 =	vld [tilespmem:s14+$0x2000];
	v1 =	vadd.s32 s15, v1;
	_ =	sdelay $0x2  }
0xf6: {  	v4 =	vld [tilespmem:s14+$0x2010];
	v2 =	vadd.s32 s15, v2;
	_ =	sdelay $0x1  }
0xf7: {  	[tilespmem:v1+s10+$0x0] =	vst.idx.add.f32.msk $0xffff, v3  }
0xf8: {  	v1 =	vld [tilespmem:s14+$0x20]  }
0xf9: {  	v3 =	vld [tilespmem:s14+$0x2020]  }
0xfa: {  	[tilespmem:v2+s10+$0x0] =	vst.idx.add.f32.msk $0xffff, v4  }
0xfb: {  	v2 =	vld [tilespmem:s14+$0x30];
	_ =	sdelay $0x1  }
0xfc: {  	v1 =	vadd.s32 s15, v1;
	_ =	sdelay $0x2  }
0xfd: {  	v4 =	vld [tilespmem:s14+$0x2030];
	v2 =	vadd.s32 s15, v2;
	_ =	sdelay $0x1  }
0xfe: {  	[tilespmem:v1+s10+$0x0] =	vst.idx.add.f32.msk $0xffff, v3  }
0xff: {  	v1 =	vld [tilespmem:s14+$0x40]  }
0x100: {  	v3 =	vld [tilespmem:s14+$0x2040]  }
0x101: {  	[tilespmem:v2+s10+$0x0] =	vst.idx.add.f32.msk $0xffff, v4  }
0x102: {  	v2 =	vld [tilespmem:s14+$0x50];
	_ =	sdelay $0x1  }
0x103: {  	v1 =	vadd.s32 s15, v1;
	_ =	sdelay $0x2  }
0x104: {  	v4 =	vld [tilespmem:s14+$0x2050];
	v2 =	vadd.s32 s15, v2;
	_ =	sdelay $0x1  }
0x105: {  	[tilespmem:v1+s10+$0x0] =	vst.idx.add.f32.msk $0xffff, v3  }
0x106: {  	v1 =	vld [tilespmem:s14+$0x60]  }
0x107: {  	v5 =	vld [tilespmem:s14+$0x2060]  }
0x108: {  	[tilespmem:v2+s10+$0x0] =	vst.idx.add.f32.msk $0xffff, v4  }
0x109: {  	v2 =	vld [tilespmem:s14+$0x70]  }
0x10a: {  	s18 =	simm.s32 $0x880;
	s19 =	simm.s32 $0x1100  }
0x10b: {  	s30 =	sand.u32 $0x1800, s19;
	s31 =	sand.u32 $0x380, s18;
	v1 =	vadd.s32 s15, v1  }
0x10c: {  	s16 =	sor.u32 s31, s30  }
0x10d: {  	v7 =	vld [tilespmem:s16+$0x0]  }
0x10e: {  	v6 =	vld [tilespmem:s14+$0x2070];
	v2 =	vadd.s32 s15, v2  }
0x10f: {  	v3 =	vld [tilespmem:s16+$0x2000]  }
0x110: {  	[tilespmem:v1+s10+$0x0] =	vst.idx.add.f32.msk $0xffff, v5  }
0x111: {  	v4 =	vld [tilespmem:s14+$0x400]  }
0x112: {  	s17 =	simm.s32 $0x8800;
	v1 =	vld [tilespmem:s14+$0x2400]  }
0x113: {  	[tilespmem:v2+s10+$0x0] =	vst.idx.add.f32.msk $0xffff, v6;
	v6 =	vadd.s32 s17, v7;
	_ =	sdelay $0x1  }
0x114: {  	v2 =	vld [tilespmem:s14+$0x410]  }
0x115: {  	s20 =	simm.s32 $0x9000;
	v5 =	vld [tilespmem:s16+$0x2010]  }
.LBB2_6:
0x116: {  	p0 =	sne.s32 s20, $0xF800;
	v7 =	vld [tilespmem:s16+$0x10];
	v4 =	vadd.s32 s15, v4  }
0x117: {  	[tilespmem:v6+s10+$0x0] =	vst.idx.add.f32.msk $0xffff, v3  }
0x118: {  	v3 =	vld [tilespmem:s16+$0x20]  }
0x119: {  	v6 =	vld [tilespmem:s14+$0x2410];
	v2 =	vadd.s32 s15, v2  }
0x11a: {  	v8 =	vld [tilespmem:s16+$0x2020]  }
0x11b: {  	v7 =	vadd.s32 s17, v7;
	[tilespmem:v4+s10+$0x0] =	vst.idx.add.f32.msk $0xffff, v1  }
0x11c: {  	v1 =	vld [tilespmem:s14+$0x420]  }
0x11d: {  	v4 =	vld [tilespmem:s14+$0x2420]  }
0x11e: {  	v3 =	vadd.s32 s17, v3;
	[tilespmem:v2+s10+$0x0] =	vst.idx.add.f32.msk $0xffff, v6  }
0x11f: {  	v2 =	vld [tilespmem:s14+$0x430]  }
0x120: {  	[tilespmem:v7+s10+$0x0] =	vst.idx.add.f32.msk $0xffff, v5  }
0x121: {  	v5 =	vld [tilespmem:s16+$0x2030];
	v1 =	vadd.s32 s15, v1  }
0x122: {  	v6 =	vld [tilespmem:s16+$0x30]  }
0x123: {  	[tilespmem:v3+s10+$0x0] =	vst.idx.add.f32.msk $0xffff, v8  }
0x124: {  	v3 =	vld [tilespmem:s14+$0x2430];
	v2 =	vadd.s32 s15, v2  }
0x125: {  	v7 =	vld [tilespmem:s16+$0x40]  }
0x126: {  	[tilespmem:v1+s10+$0x0] =	vst.idx.add.f32.msk $0xffff, v4  }
0x127: {  	v1 =	vadd.s32 s17, v6;
	v4 =	vld [tilespmem:s14+$0x440]  }
0x128: {  	v6 =	vld [tilespmem:s14+$0x2440]  }
0x129: {  	[tilespmem:v2+s10+$0x0] =	vst.idx.add.f32.msk $0xffff, v3  }
0x12a: {  	v2 =	vld [tilespmem:s14+$0x450]  }
0x12b: {  	v7 =	vadd.s32 s17, v7;
	v3 =	vld [tilespmem:s16+$0x2040]  }
0x12c: {  	[tilespmem:v1+s10+$0x0] =	vst.idx.add.f32.msk $0xffff, v5;
	v1 =	vadd.s32 s15, v4  }
0x12d: {  	v4 =	vld [tilespmem:s16+$0x2050]  }
0x12e: {  	v5 =	vld [tilespmem:s16+$0x50]  }
0x12f: {  	v8 =	vld [tilespmem:s14+$0x2450];
	v2 =	vadd.s32 s15, v2  }
0x130: {  	[tilespmem:v7+s10+$0x0] =	vst.idx.add.f32.msk $0xffff, v3  }
0x131: {  	[tilespmem:v1+s10+$0x0] =	vst.idx.add.f32.msk $0xffff, v6  }
0x132: {  	v1 =	vld [tilespmem:s14+$0x460]  }
0x133: {  	v3 =	vadd.s32 s17, v5;
	v5 =	vld [tilespmem:s14+$0x2460]  }
0x134: {  	[tilespmem:v2+s10+$0x0] =	vst.idx.add.f32.msk $0xffff, v8  }
0x135: {  	v2 =	vld [tilespmem:s14+$0x470]  }
0x136: {  	v6 =	vld [tilespmem:s16+$0x60]  }
0x137: {  	v7 =	vld [tilespmem:s16+$0x2060]  }
0x138: {  	s18 =	sadd.s32 $0x80, s18;
	s19 =	sadd.s32 $0x100, s19;
	[tilespmem:v3+s10+$0x0] =	vst.idx.add.f32.msk $0xffff, v4  }
0x139: {  	s21 =	sand.u32 $0x1800, s19;
	s22 =	sand.u32 $0x380, s18;
	v1 =	vadd.s32 s15, v1;
	v4 =	vld [tilespmem:s16+$0x70]  }
0x13a: {  	v8 =	vld [tilespmem:s14+$0x2470];
	v2 =	vadd.s32 s15, v2;
	s14 =	smov.u32 s16;
	s16 =	sor.u32 s22, s21;
	s15 =	smov.u32 s17  }
0x13b: {  	s17 =	smov.u32 s20;
	v3 =	vld [tilespmem:s16+$0x2000];
	v6 =	vadd.s32 s15, v6  }
0x13c: {  	v9 =	vld [tilespmem:s16+$0x0]  }
0x13d: {  	v10 =	vld [tilespmem:s14+$0x2070]  }
0x13e: {  	v11 =	vadd.s32 s15, v4;
	[tilespmem:v1+s10+$0x0] =	vst.idx.add.f32.msk $0xffff, v5  }
0x13f: {  	[tilespmem:v2+s10+$0x0] =	vst.idx.add.f32.msk $0xffff, v8  }
0x140: {  	[tilespmem:v6+s10+$0x0] =	vst.idx.add.f32.msk $0xffff, v7  }
.Ltmp2:
0x141: {  	v4 =	vld [tilespmem:s14+$0x400];
	(pc) =	sbr.rel @p0 .LBB2_6-.Ltmp2, $4  }
0x142: {  	v6 =	vadd.s32 s20, v9;
	v1 =	vld [tilespmem:s14+$0x2400]  }
0x143: {  	[tilespmem:v11+s10+$0x0] =	vst.idx.add.f32.msk $0xffff, v10  }
0x144: {  	v2 =	vld [tilespmem:s14+$0x410]  }
0x145: {  	s20 =	sadd.s32 $0x800, s20;
	v5 =	vld [tilespmem:s16+$0x2010]  }
0x146: {  	v7 =	vld [tilespmem:s16+$0x10];
	_ =	sdelay $0x4  }
0x147: {  	v7 =	vadd.s32 s17, v7;
	_ =	sdelay $0x1  }
0x148: {  	[tilespmem:v6+s10+$0x0] =	vst.idx.add.f32.msk $0xffff, v3  }
0x149: {  	v3 =	vld [tilespmem:s16+$0x20]  }
0x14a: {  	v6 =	vld [tilespmem:s16+$0x2020]  }
0x14b: {  	[tilespmem:v7+s10+$0x0] =	vst.idx.add.f32.msk $0xffff, v5  }
0x14c: {  	v5 =	vld [tilespmem:s16+$0x30];
	_ =	sdelay $0x1  }
0x14d: {  	v3 =	vadd.s32 s17, v3;
	_ =	sdelay $0x2  }
0x14e: {  	v7 =	vld [tilespmem:s16+$0x2030];
	v5 =	vadd.s32 s17, v5;
	_ =	sdelay $0x1  }
0x14f: {  	[tilespmem:v3+s10+$0x0] =	vst.idx.add.f32.msk $0xffff, v6  }
0x150: {  	v3 =	vld [tilespmem:s16+$0x40]  }
0x151: {  	v6 =	vld [tilespmem:s16+$0x2040]  }
0x152: {  	[tilespmem:v5+s10+$0x0] =	vst.idx.add.f32.msk $0xffff, v7  }
0x153: {  	v5 =	vld [tilespmem:s16+$0x50];
	_ =	sdelay $0x1  }
0x154: {  	v3 =	vadd.s32 s17, v3;
	_ =	sdelay $0x2  }
0x155: {  	v7 =	vld [tilespmem:s16+$0x2050];
	v5 =	vadd.s32 s17, v5;
	_ =	sdelay $0x1  }
0x156: {  	[tilespmem:v3+s10+$0x0] =	vst.idx.add.f32.msk $0xffff, v6  }
0x157: {  	v3 =	vld [tilespmem:s16+$0x60]  }
0x158: {  	v6 =	vld [tilespmem:s16+$0x2060]  }
0x159: {  	v4 =	vadd.s32 s15, v4;
	[tilespmem:v5+s10+$0x0] =	vst.idx.add.f32.msk $0xffff, v7  }
0x15a: {  	v5 =	vld [tilespmem:s16+$0x70];
	_ =	sdelay $0x1  }
0x15b: {  	v3 =	vadd.s32 s17, v3  }
0x15c: {  	v53 =	vld [tilespmem:s14+$0x2410]  }
0x15d: {  	[tilespmem:v4+s10+$0x0] =	vst.idx.add.f32.msk $0xffff, v1  }
0x15e: {  	v1 =	vld [tilespmem:s16+$0x2070];
	v54 =	vadd.s32 s17, v5  }
0x15f: {  	v55 =	vld [tilespmem:s14+$0x420]  }
0x160: {  	[tilespmem:v3+s10+$0x0] =	vst.idx.add.f32.msk $0xffff, v6  }
0x161: {  	v2 =	vadd.s32 s15, v2;
	v3 =	vld [tilespmem:s16+$0x400]  }
0x162: {  	v6 =	vld [tilespmem:s16+$0x2400]  }
0x163: {  	[tilespmem:v54+s10+$0x0] =	vst.idx.add.f32.msk $0xffff, v1  }
0x164: {  	v1 =	vld [tilespmem:s16+$0x410]  }
0x165: {  	v56 =	vld [tilespmem:s14+$0x2420];
	v5 =	vadd.s32 s15, v55  }
0x166: {  	[tilespmem:v2+s10+$0x0] =	vst.idx.add.f32.msk $0xffff, v53;
	v2 =	vadd.s32 s17, v3  }
0x167: {  	v7 =	vld [tilespmem:s14+$0x2430]  }
0x168: {  	v3 =	vld [tilespmem:s14+$0x430]  }
0x169: {  	v8 =	vld [tilespmem:s16+$0x2410];
	v1 =	vadd.s32 s17, v1  }
0x16a: {  	[tilespmem:v5+s10+$0x0] =	vst.idx.add.f32.msk $0xffff, v56  }
0x16b: {  	[tilespmem:v2+s10+$0x0] =	vst.idx.add.f32.msk $0xffff, v6  }
0x16c: {  	v2 =	vld [tilespmem:s16+$0x420]  }
0x16d: {  	v3 =	vadd.s32 s15, v3;
	v57 =	vld [tilespmem:s16+$0x2420]  }
0x16e: {  	[tilespmem:v1+s10+$0x0] =	vst.idx.add.f32.msk $0xffff, v8  }
0x16f: {  	v1 =	vld [tilespmem:s16+$0x430]  }
0x170: {  	v5 =	vld [tilespmem:s14+$0x440]  }
0x171: {  	v58 =	vld [tilespmem:s14+$0x2440];
	v2 =	vadd.s32 s17, v2  }
0x172: {  	[tilespmem:v3+s10+$0x0] =	vst.idx.add.f32.msk $0xffff, v7  }
0x173: {  	v3 =	vld [tilespmem:s14+$0x450]  }
0x174: {  	v59 =	vld [tilespmem:s16+$0x2430];
	v1 =	vadd.s32 s17, v1  }
0x175: {  	v60 =	vld [tilespmem:s14+$0x2450]  }
0x176: {  	v5 =	vadd.s32 s15, v5;
	[tilespmem:v2+s10+$0x0] =	vst.idx.add.f32.msk $0xffff, v57  }
0x177: {  	v2 =	vld [tilespmem:s16+$0x440]  }
0x178: {  	v4 =	vld [tilespmem:s16+$0x2440]  }
0x179: {  	v3 =	vadd.s32 s15, v3;
	[tilespmem:v1+s10+$0x0] =	vst.idx.add.f32.msk $0xffff, v59  }
0x17a: {  	v1 =	vld [tilespmem:s16+$0x450]  }
0x17b: {  	[tilespmem:v5+s10+$0x0] =	vst.idx.add.f32.msk $0xffff, v58  }
0x17c: {  	v5 =	vld [tilespmem:s14+$0x460];
	v2 =	vadd.s32 s17, v2  }
0x17d: {  	v6 =	vld [tilespmem:s14+$0x2460]  }
0x17e: {  	[tilespmem:v3+s10+$0x0] =	vst.idx.add.f32.msk $0xffff, v60  }
0x17f: {  	v3 =	vld [tilespmem:s16+$0x2450];
	v1 =	vadd.s32 s17, v1  }
0x180: {  	v61 =	vld [tilespmem:s14+$0x470]  }
0x181: {  	[tilespmem:v2+s10+$0x0] =	vst.idx.add.f32.msk $0xffff, v4  }
0x182: {  	v2 =	vld [tilespmem:s16+$0x460]  }
0x183: {  	v4 =	vld [tilespmem:s16+$0x2460]  }
0x184: {  	[tilespmem:v1+s10+$0x0] =	vst.idx.add.f32.msk $0xffff, v3  }
0x185: {  	v1 =	vld [tilespmem:s16+$0x470];
	_ =	sdelay $0x1  }
0x186: {  	v2 =	vadd.s32 s17, v2  }
0x187: {  	v3 =	vadd.s32 s15, v5  }
0x188: {  	v62 =	vld [tilespmem:s14+$0x2470];
	v7 =	vadd.s32 s15, v61  }
0x189: {  	v63 =	vld [tilespmem:s16+$0x2470];
	v1 =	vadd.s32 s17, v1;
	_ =	sdelay $0x1  }
0x18a: {  	[tilespmem:v2+s10+$0x0] =	vst.idx.add.f32.msk $0xffff, v4  }
0x18b: {  	[tilespmem:v3+s10+$0x0] =	vst.idx.add.f32.msk $0xffff, v6  }
0x18c: {  	[tilespmem:v7+s10+$0x0] =	vst.idx.add.f32.msk $0xffff, v62  }
0x18d: {  	s13 =	sadd.s32 $0x1, s13;
	[tilespmem:v1+s10+$0x0] =	vst.idx.add.f32.msk $0xffff, v63  }
0x18e: {  	[hbm4b:s6+s2] =	stream.linear.scatter [tilespmem:s11], [sflag:$0x2], $0x8000, $0x38;
	[tilespmem:$0x14000] =	vst v63  }
0x18f: {  	p0 =	sne.s32 s13, s7;
	_ =	swait.ge [sflag:s12], $0x8000  }
.Ltmp3:
0x190: {  	[sflag:s12] =	ssyncset.done $0x0;
	(pc) =	sbr.rel @p0 .LBB2_1-.Ltmp3, $4  }
0x191: {  	[sflag:s12] =	ssyncadd.s32 $0xFFFF8000  }
0x192: {  	_ =	swait.ge [sflag:s12], $0x8000  }
0x193: {  	[sflag:s12] =	ssyncset.done $0x0  }
0x194: {  	[sflag:s12] =	ssyncadd.s32 $0xFFFF8000  }
0x195: {  	_ =	sfence.sel $0x180000  }
0x196: {  	[bflag:$0x0] =	sbarrier.arrive $0xFFFF  }
0x197: {  	p0 =	sne.s32 s1, $0x0;
	_ =	strace $0x90000047  }
0x198: {  	s0 =	sadd.s32 @!p0 $0x100000, s0;
	[bflag:$0x2] =	sbarrier.arrive $0xFFFF  }
0x199: {  	[sflag:s0] =	ssyncadd.tile.s32 @!p0 $0x1;
	_ =	shalt  }
.Lfunc_end2:
_tile_overlayer_lowered:
.L_overlay_start_2:
0x19a: {  	(tag) =	ssettag $0x2  }
0x19b: {  	s0 =	rddreg [dreg:$0x0];
	s2 =	stileid.u32  }
0x19c: {  	s1 =	rddreg [dreg:$0x1];
	p0 =	sne.s32 s2, $0x0  }
0x19d: {  	s3 =	rddreg [dreg:$0x2];
	[bflag:$0x3] =	sbarrier.arrive $0xFFFF;
	s2 =	simm.s32 @!p0 $0x1C03  }
0x19e: {  	[timem:s3], [sflag:s2] =	dma.local @!p0 [hbm:s0], s1  }
0x19f: {  	s0 =	simm.s32 @!p0 $0x3  }
0x1a0: {  	_ =	swait.ge @!p0 [sflag:s0], s1  }
0x1a1: {  	s1 =	ssub.s32 @!p0 $0x0, s1;
	[sflag:s0] =	ssyncset.done @!p0 $0x0  }
0x1a2: {  	[sflag:s0] =	ssyncadd.s32 @!p0 s1  }
0x1a3: {  	[bflag:$0x3] =	sbarrier.arrive $0xFFFF  }
0x1a4: {  	_ =	shalt  }

</sc_bundles>
